<compile_context>
chip_gen: v7x
topology: tpu7x:2x2x1
jax: 0.10.2.dev20260603
libtpu: 0.0.44.dev20260713+nightly
codegen_flags: <defaults>
</compile_context>

<pallas_src>
import functools

import jax
import jax.numpy as jnp
from jax import lax
from jax.experimental import pallas as pl
from jax.experimental.pallas import tpu as pltpu
from jax.experimental.pallas import tpu_sc as plsc

_NC = 2
_NS = 16
_LANES = 16


def _degree_sc(edge_index, n_nodes, n_edges):
    nw = _NC * _NS
    unit = 128
    main = (n_edges // (nw * unit)) * unit
    rem_units = (n_edges - nw * main) // unit
    f32t = 128
    n_pad = ((n_nodes + _NS * f32t - 1) // (_NS * f32t)) * (_NS * f32t)
    z_chunk = n_pad // _NS
    mesh = plsc.VectorSubcoreMesh(
        core_axis_name="c", subcore_axis_name="s",
        num_cores=_NC, num_subcores=_NS)

    @functools.partial(
        pl.kernel,
        out_type=jax.ShapeDtypeStruct((_NC * n_pad,), jnp.float32),
        mesh=mesh,
        scratch_types=[
            pltpu.VMEM((2, main), jnp.int32),
            pltpu.VMEM((2, unit), jnp.int32),
            pltpu.VMEM((unit,), jnp.float32),
            pltpu.VMEM((n_pad,), jnp.float32),
            pltpu.VMEM_SHARED((n_pad,), jnp.float32),
            pltpu.SemaphoreType.DMA,
            pltpu.SemaphoreType.DMA,
        ],
    )
    def deg_kernel(ei_hbm, out_hbm,
                   idx_v, ext_v, ones_v, buf_v, deg_sh, sem, sem2):
        c = lax.axis_index("c")
        s = lax.axis_index("s")
        wid = c * _NS + s
        n_units = main // unit

        pltpu.async_copy(ei_hbm.at[:, pl.ds(wid * main, main)], idx_v, sem2)

        @pl.when(wid < rem_units)
        def _stage_rem():
            pltpu.async_copy(
                ei_hbm.at[:, pl.ds(nw * main + wid * unit, unit)], ext_v,
                sem2)

        for k in range(unit // _LANES):
            ones_v[pl.ds(k * _LANES, _LANES)] = jnp.ones(
                (_LANES,), jnp.float32)
        for k in range(z_chunk // _LANES):
            buf_v[pl.ds(k * _LANES, _LANES)] = jnp.zeros(
                (_LANES,), jnp.float32)
        pltpu.sync_copy(buf_v.at[pl.ds(0, z_chunk)],
                        deg_sh.at[pl.ds(s * z_chunk, z_chunk)])

        pltpu.make_async_copy(
            ei_hbm.at[:, pl.ds(wid * main, main)], idx_v, sem2).wait()

        @pl.when(wid < rem_units)
        def _stage_rem_wait():
            pltpu.make_async_copy(
                ei_hbm.at[:, pl.ds(nw * main + wid * unit, unit)], ext_v,
                sem2).wait()

        plsc.subcore_barrier()
        def fire(u, carry):
            pltpu.async_copy(
                ones_v, deg_sh.at[idx_v.at[0, pl.ds(u * unit, unit)]],
                sem, add=True)
            return carry
        lax.fori_loop(0, n_units, fire, 0)

        @pl.when(wid < rem_units)
        def _scatter_rem():
            pltpu.async_copy(ones_v, deg_sh.at[ext_v.at[0]], sem, add=True)

        def drain(u, carry):
            pltpu.make_async_copy(
                ones_v, deg_sh.at[idx_v.at[0, pl.ds(0, unit)]], sem).wait()
            return carry
        lax.fori_loop(0, n_units, drain, 0)

        @pl.when(wid < rem_units)
        def _drain_rem():
            pltpu.make_async_copy(
                ones_v, deg_sh.at[ext_v.at[0]], sem).wait()

        plsc.subcore_barrier()

        @pl.when(s == 0)
        def _writeout():
            pltpu.sync_copy(deg_sh, buf_v)
            pltpu.sync_copy(buf_v, out_hbm.at[pl.ds(c * n_pad, n_pad)])

    return deg_kernel(edge_index)


def _scale_body(x_ref, d_ref, t1_ref, t2_ref, o_ref):
    deg = d_ref[0, 0, 0] + d_ref[1, 0, 0]
    scale = jnp.log(1.0 + deg).reshape(-1, 1)
    o_ref[...] = x_ref[...] * (t1_ref[...] + scale * t2_ref[...])


def kernel(x, edge_index, theta1, theta2):
    n_nodes, hidden = x.shape
    n_edges = edge_index.shape[1]
    ei = edge_index.astype(jnp.int32)

    deg_flat = _degree_sc(ei, n_nodes, n_edges)
    grid = 2
    blk = n_nodes // grid
    n_pad = deg_flat.shape[0] // _NC
    d4 = deg_flat.reshape(_NC, n_pad)[:, :n_nodes].reshape(
        _NC, grid, 1, blk)

    out = pl.pallas_call(
        _scale_body,
        grid=(grid,),
        in_specs=[
            pl.BlockSpec((blk, hidden), lambda i: (i, 0)),
            pl.BlockSpec((_NC, 1, 1, blk), lambda i: (0, i, 0, 0)),
            pl.BlockSpec((1, hidden), lambda i: (0, 0)),
            pl.BlockSpec((1, hidden), lambda i: (0, 0)),
        ],
        out_specs=pl.BlockSpec((blk, hidden), lambda i: (i, 0)),
        out_shape=jax.ShapeDtypeStruct((n_nodes, hidden), jnp.float32),
    )(x, d4, theta1.reshape(1, hidden), theta2.reshape(1, hidden))
    return out

# --- scband reference (transcript-rebuilt; emitter-appended) ---
"""Pipeline reference for scband-degree-scaler-65867618452263 (READ-ONLY COPY).

The authoritative reference and input builder live on the scoring server;
editing this copy changes nothing except your own understanding.
"""

import jax, jax.numpy as jnp
import numpy as np

N_NODES = 10000
N_EDGES = 320000
HIDDEN_DIM = 128


def setup_inputs(seed: int = 0) -> dict:
    key = jax.random.key(seed)
    k1, k2 = jax.random.split(key)
    x = jax.random.normal(k1, (N_NODES, HIDDEN_DIM), dtype=jnp.float32)
    edge_index = jax.random.randint(k2, (2, N_EDGES), 0, N_NODES, dtype=jnp.int64)
    theta1 = jnp.ones((HIDDEN_DIM,), dtype=jnp.float32)
    theta2 = jnp.ones((HIDDEN_DIM,), dtype=jnp.float32)
    return {"x": x, "edge_index": edge_index, "theta1": theta1, "theta2": theta2}


def reference(x, edge_index, theta1, theta2):
    num_nodes = x.shape[0]
    row = edge_index[0]
    # deg = scatter_add of ones at row indices
    deg = jnp.zeros((num_nodes,), dtype=jnp.float32).at[row].add(jnp.ones_like(row, dtype=jnp.float32))
    deg_scale = jnp.log(1.0 + deg)[:, None]
    x_out = x * theta1 + deg_scale * x * theta2
    return x_out

if __name__ == "__main__":
    import jax
    _d = setup_inputs()
    print(jax.jit(kernel)(*tuple(_d.values())))

</pallas_src>

<mosaic_0001>
#map = affine_map<(d0, d1) -> (0, 0)>
#map1 = affine_map<(d0, d1) -> (0)>
module attributes {stable_mosaic.version = 14 : i64} {
  func.func @deg_kernel(%arg0: i32, %arg1: i32, %arg2: memref<2x320000xi32, #tpu.memory_space<hbm>>, %arg3: memref<20480xf32, #tpu.memory_space<hbm>>, %arg4: memref<2x9984xi32, #tpu.memory_space<vmem>>, %arg5: memref<2x128xi32, #tpu.memory_space<vmem>>, %arg6: memref<128xf32, #tpu.memory_space<vmem>>, %arg7: memref<10240xf32, #tpu.memory_space<vmem>>, %arg8: memref<10240xf32, #tpu.memory_space<vmem_shared>>, %arg9: memref<!tpu.dma_semaphore, #tpu.memory_space<semaphore_mem>>, %arg10: memref<!tpu.dma_semaphore, #tpu.memory_space<semaphore_mem>>) attributes {dimension_semantics = [#tpu.dimension_semantics<core_parallel>, #tpu.dimension_semantics<subcore_parallel>], iteration_bounds = array<i64: 2, 16>, scalar_prefetch = 0 : i64, scratch_operands = 7 : i64, tpu.core_type = #tpu.core_type<sc_vector_subcore>, window_params = [{transform_indices = #map}, {transform_indices = #map1}]} {
    %mul3A = arith.constant 16 : i32
    %mul3A_0 = arith.muli %arg0, %mul3A : i32
    %add3A = arith.addi %mul3A_0, %arg1 : i32
    %mul3A_1 = arith.constant 9984 : i32
    %mul3A_2 = arith.muli %add3A, %mul3A_1 : i32
    %dma_start3A = arith.constant 0 : i32
    %dma_start3A_3 = tpu.memref_slice %arg2[%dma_start3A, %mul3A_2] : memref<2x320000xi32, #tpu.memory_space<hbm>> -> memref<2x9984xi32, #tpu.memory_space<hbm>>
    %dma_start3A_4 = arith.constant 0 : i32
    %dma_start3A_5 = tpu.memref_slice %arg2[%dma_start3A_4, %mul3A_2] : memref<2x320000xi32, #tpu.memory_space<hbm>> -> memref<2x9984xi32, #tpu.memory_space<hbm>>
    tpu.enqueue_dma source(%dma_start3A_5 : memref<2x9984xi32, #tpu.memory_space<hbm>>) target(%arg4 : memref<2x9984xi32, #tpu.memory_space<vmem>>) target_semaphore(%arg10 : memref<!tpu.dma_semaphore, #tpu.memory_space<semaphore_mem>>)
    %lt3A = arith.constant 4 : i32
    %lt3A_6 = arith.cmpi slt, %add3A, %lt3A : i32
    %convert_element_type3A = arith.extui %lt3A_6 : i1 to i32
    %cond3A = arith.constant 0 : i32
    %cond3A_7 = arith.cmpi ne, %convert_element_type3A, %cond3A : i32
    scf.if %cond3A_7 {
      %mul3A_332 = arith.constant 128 : i32
      %mul3A_333 = arith.muli %add3A, %mul3A_332 : i32
      %add3A_334 = arith.constant 319488 : i32
      %add3A_335 = arith.addi %add3A_334, %mul3A_333 : i32
      %dma_start3A_336 = arith.constant 0 : i32
      %dma_start3A_337 = tpu.memref_slice %arg2[%dma_start3A_336, %add3A_335] : memref<2x320000xi32, #tpu.memory_space<hbm>> -> memref<2x128xi32, #tpu.memory_space<hbm>>
      %dma_start3A_338 = arith.constant 0 : i32
      %dma_start3A_339 = tpu.memref_slice %arg2[%dma_start3A_338, %add3A_335] : memref<2x320000xi32, #tpu.memory_space<hbm>> -> memref<2x128xi32, #tpu.memory_space<hbm>>
      tpu.enqueue_dma source(%dma_start3A_339 : memref<2x128xi32, #tpu.memory_space<hbm>>) target(%arg5 : memref<2x128xi32, #tpu.memory_space<vmem>>) target_semaphore(%arg10 : memref<!tpu.dma_semaphore, #tpu.memory_space<semaphore_mem>>)
    } else {
    }
    %broadcast_in_dim3A = arith.constant 1.000000e+00 : f32
    %broadcast_in_dim3A_8 = vector.broadcast %broadcast_in_dim3A : f32 to vector<16xf32>
    %swap3A = arith.constant 0 : index
    %swap3A_9 = tpu.vector_load %arg6[%swap3A] {strides = array<i32>} : memref<128xf32, #tpu.memory_space<vmem>>, vector<16xf32>,
    %swap3A_10 = vector.shape_cast %swap3A_9 : vector<16xf32> to vector<16xf32>
    %swap3A_11 = vector.shape_cast %broadcast_in_dim3A_8 : vector<16xf32> to vector<16xf32>
    tpu.vector_store %arg6[%swap3A], %swap3A_11 {strides = array<i32>} : memref<128xf32, #tpu.memory_space<vmem>>, vector<16xf32>,
    %broadcast_in_dim3A_12 = arith.constant 1.000000e+00 : f32
    %broadcast_in_dim3A_13 = vector.broadcast %broadcast_in_dim3A_12 : f32 to vector<16xf32>
    %swap3A_14 = arith.constant 16 : index
    %swap3A_15 = tpu.vector_load %arg6[%swap3A_14] {strides = array<i32>} : memref<128xf32, #tpu.memory_space<vmem>>, vector<16xf32>,
    %swap3A_16 = vector.shape_cast %swap3A_15 : vector<16xf32> to vector<16xf32>
    %swap3A_17 = vector.shape_cast %broadcast_in_dim3A_13 : vector<16xf32> to vector<16xf32>
    tpu.vector_store %arg6[%swap3A_14], %swap3A_17 {strides = array<i32>} : memref<128xf32, #tpu.memory_space<vmem>>, vector<16xf32>,
    %broadcast_in_dim3A_18 = arith.constant 1.000000e+00 : f32
    %broadcast_in_dim3A_19 = vector.broadcast %broadcast_in_dim3A_18 : f32 to vector<16xf32>
    %swap3A_20 = arith.constant 32 : index
    %swap3A_21 = tpu.vector_load %arg6[%swap3A_20] {strides = array<i32>} : memref<128xf32, #tpu.memory_space<vmem>>, vector<16xf32>,
    %swap3A_22 = vector.shape_cast %swap3A_21 : vector<16xf32> to vector<16xf32>
    %swap3A_23 = vector.shape_cast %broadcast_in_dim3A_19 : vector<16xf32> to vector<16xf32>
    tpu.vector_store %arg6[%swap3A_20], %swap3A_23 {strides = array<i32>} : memref<128xf32, #tpu.memory_space<vmem>>, vector<16xf32>,
    %broadcast_in_dim3A_24 = arith.constant 1.000000e+00 : f32
    %broadcast_in_dim3A_25 = vector.broadcast %broadcast_in_dim3A_24 : f32 to vector<16xf32>
    %swap3A_26 = arith.constant 48 : index
    %swap3A_27 = tpu.vector_load %arg6[%swap3A_26] {strides = array<i32>} : memref<128xf32, #tpu.memory_space<vmem>>, vector<16xf32>,
    %swap3A_28 = vector.shape_cast %swap3A_27 : vector<16xf32> to vector<16xf32>
    %swap3A_29 = vector.shape_cast %broadcast_in_dim3A_25 : vector<16xf32> to vector<16xf32>
    tpu.vector_store %arg6[%swap3A_26], %swap3A_29 {strides = array<i32>} : memref<128xf32, #tpu.memory_space<vmem>>, vector<16xf32>,
    %broadcast_in_dim3A_30 = arith.constant 1.000000e+00 : f32
    %broadcast_in_dim3A_31 = vector.broadcast %broadcast_in_dim3A_30 : f32 to vector<16xf32>
    %swap3A_32 = arith.constant 64 : index
    %swap3A_33 = tpu.vector_load %arg6[%swap3A_32] {strides = array<i32>} : memref<128xf32, #tpu.memory_space<vmem>>, vector<16xf32>,
    %swap3A_34 = vector.shape_cast %swap3A_33 : vector<16xf32> to vector<16xf32>
    %swap3A_35 = vector.shape_cast %broadcast_in_dim3A_31 : vector<16xf32> to vector<16xf32>
    tpu.vector_store %arg6[%swap3A_32], %swap3A_35 {strides = array<i32>} : memref<128xf32, #tpu.memory_space<vmem>>, vector<16xf32>,
    %broadcast_in_dim3A_36 = arith.constant 1.000000e+00 : f32
    %broadcast_in_dim3A_37 = vector.broadcast %broadcast_in_dim3A_36 : f32 to vector<16xf32>
    %swap3A_38 = arith.constant 80 : index
    %swap3A_39 = tpu.vector_load %arg6[%swap3A_38] {strides = array<i32>} : memref<128xf32, #tpu.memory_space<vmem>>, vector<16xf32>,
    %swap3A_40 = vector.shape_cast %swap3A_39 : vector<16xf32> to vector<16xf32>
    %swap3A_41 = vector.shape_cast %broadcast_in_dim3A_37 : vector<16xf32> to vector<16xf32>
    tpu.vector_store %arg6[%swap3A_38], %swap3A_41 {strides = array<i32>} : memref<128xf32, #tpu.memory_space<vmem>>, vector<16xf32>,
    %broadcast_in_dim3A_42 = arith.constant 1.000000e+00 : f32
    %broadcast_in_dim3A_43 = vector.broadcast %broadcast_in_dim3A_42 : f32 to vector<16xf32>
    %swap3A_44 = arith.constant 96 : index
    %swap3A_45 = tpu.vector_load %arg6[%swap3A_44] {strides = array<i32>} : memref<128xf32, #tpu.memory_space<vmem>>, vector<16xf32>,
    %swap3A_46 = vector.shape_cast %swap3A_45 : vector<16xf32> to vector<16xf32>
    %swap3A_47 = vector.shape_cast %broadcast_in_dim3A_43 : vector<16xf32> to vector<16xf32>
    tpu.vector_store %arg6[%swap3A_44], %swap3A_47 {strides = array<i32>} : memref<128xf32, #tpu.memory_space<vmem>>, vector<16xf32>,
    %broadcast_in_dim3A_48 = arith.constant 1.000000e+00 : f32
    %broadcast_in_dim3A_49 = vector.broadcast %broadcast_in_dim3A_48 : f32 to vector<16xf32>
    %swap3A_50 = arith.constant 112 : index
    %swap3A_51 = tpu.vector_load %arg6[%swap3A_50] {strides = array<i32>} : memref<128xf32, #tpu.memory_space<vmem>>, vector<16xf32>,
    %swap3A_52 = vector.shape_cast %swap3A_51 : vector<16xf32> to vector<16xf32>
    %swap3A_53 = vector.shape_cast %broadcast_in_dim3A_49 : vector<16xf32> to vector<16xf32>
    tpu.vector_store %arg6[%swap3A_50], %swap3A_53 {strides = array<i32>} : memref<128xf32, #tpu.memory_space<vmem>>, vector<16xf32>,
    %broadcast_in_dim3A_54 = arith.constant 0.000000e+00 : f32
    %broadcast_in_dim3A_55 = vector.broadcast %broadcast_in_dim3A_54 : f32 to vector<16xf32>
    %swap3A_56 = arith.constant 0 : index
    %swap3A_57 = tpu.vector_load %arg7[%swap3A_56] {strides = array<i32>} : memref<10240xf32, #tpu.memory_space<vmem>>, vector<16xf32>,
    %swap3A_58 = vector.shape_cast %swap3A_57 : vector<16xf32> to vector<16xf32>
    %swap3A_59 = vector.shape_cast %broadcast_in_dim3A_55 : vector<16xf32> to vector<16xf32>
    tpu.vector_store %arg7[%swap3A_56], %swap3A_59 {strides = array<i32>} : memref<10240xf32, #tpu.memory_space<vmem>>, vector<16xf32>,
    %broadcast_in_dim3A_60 = arith.constant 0.000000e+00 : f32
    %broadcast_in_dim3A_61 = vector.broadcast %broadcast_in_dim3A_60 : f32 to vector<16xf32>
    %swap3A_62 = arith.constant 16 : index
    %swap3A_63 = tpu.vector_load %arg7[%swap3A_62] {strides = array<i32>} : memref<10240xf32, #tpu.memory_space<vmem>>, vector<16xf32>,
    %swap3A_64 = vector.shape_cast %swap3A_63 : vector<16xf32> to vector<16xf32>
    %swap3A_65 = vector.shape_cast %broadcast_in_dim3A_61 : vector<16xf32> to vector<16xf32>
    tpu.vector_store %arg7[%swap3A_62], %swap3A_65 {strides = array<i32>} : memref<10240xf32, #tpu.memory_space<vmem>>, vector<16xf32>,
    %broadcast_in_dim3A_66 = arith.constant 0.000000e+00 : f32
    %broadcast_in_dim3A_67 = vector.broadcast %broadcast_in_dim3A_66 : f32 to vector<16xf32>
    %swap3A_68 = arith.constant 32 : index
    %swap3A_69 = tpu.vector_load %arg7[%swap3A_68] {strides = array<i32>} : memref<10240xf32, #tpu.memory_space<vmem>>, vector<16xf32>,
    %swap3A_70 = vector.shape_cast %swap3A_69 : vector<16xf32> to vector<16xf32>
    %swap3A_71 = vector.shape_cast %broadcast_in_dim3A_67 : vector<16xf32> to vector<16xf32>
    tpu.vector_store %arg7[%swap3A_68], %swap3A_71 {strides = array<i32>} : memref<10240xf32, #tpu.memory_space<vmem>>, vector<16xf32>,
    %broadcast_in_dim3A_72 = arith.constant 0.000000e+00 : f32
    %broadcast_in_dim3A_73 = vector.broadcast %broadcast_in_dim3A_72 : f32 to vector<16xf32>
    %swap3A_74 = arith.constant 48 : index
    %swap3A_75 = tpu.vector_load %arg7[%swap3A_74] {strides = array<i32>} : memref<10240xf32, #tpu.memory_space<vmem>>, vector<16xf32>,
    %swap3A_76 = vector.shape_cast %swap3A_75 : vector<16xf32> to vector<16xf32>
    %swap3A_77 = vector.shape_cast %broadcast_in_dim3A_73 : vector<16xf32> to vector<16xf32>
    tpu.vector_store %arg7[%swap3A_74], %swap3A_77 {strides = array<i32>} : memref<10240xf32, #tpu.memory_space<vmem>>, vector<16xf32>,
    %broadcast_in_dim3A_78 = arith.constant 0.000000e+00 : f32
    %broadcast_in_dim3A_79 = vector.broadcast %broadcast_in_dim3A_78 : f32 to vector<16xf32>
    %swap3A_80 = arith.constant 64 : index
    %swap3A_81 = tpu.vector_load %arg7[%swap3A_80] {strides = array<i32>} : memref<10240xf32, #tpu.memory_space<vmem>>, vector<16xf32>,
    %swap3A_82 = vector.shape_cast %swap3A_81 : vector<16xf32> to vector<16xf32>
    %swap3A_83 = vector.shape_cast %broadcast_in_dim3A_79 : vector<16xf32> to vector<16xf32>
    tpu.vector_store %arg7[%swap3A_80], %swap3A_83 {strides = array<i32>} : memref<10240xf32, #tpu.memory_space<vmem>>, vector<16xf32>,
    %broadcast_in_dim3A_84 = arith.constant 0.000000e+00 : f32
    %broadcast_in_dim3A_85 = vector.broadcast %broadcast_in_dim3A_84 : f32 to vector<16xf32>
    %swap3A_86 = arith.constant 80 : index
    %swap3A_87 = tpu.vector_load %arg7[%swap3A_86] {strides = array<i32>} : memref<10240xf32, #tpu.memory_space<vmem>>, vector<16xf32>,
    %swap3A_88 = vector.shape_cast %swap3A_87 : vector<16xf32> to vector<16xf32>
    %swap3A_89 = vector.shape_cast %broadcast_in_dim3A_85 : vector<16xf32> to vector<16xf32>
    tpu.vector_store %arg7[%swap3A_86], %swap3A_89 {strides = array<i32>} : memref<10240xf32, #tpu.memory_space<vmem>>, vector<16xf32>,
    %broadcast_in_dim3A_90 = arith.constant 0.000000e+00 : f32
    %broadcast_in_dim3A_91 = vector.broadcast %broadcast_in_dim3A_90 : f32 to vector<16xf32>
    %swap3A_92 = arith.constant 96 : index
    %swap3A_93 = tpu.vector_load %arg7[%swap3A_92] {strides = array<i32>} : memref<10240xf32, #tpu.memory_space<vmem>>, vector<16xf32>,
    %swap3A_94 = vector.shape_cast %swap3A_93 : vector<16xf32> to vector<16xf32>
    %swap3A_95 = vector.shape_cast %broadcast_in_dim3A_91 : vector<16xf32> to vector<16xf32>
    tpu.vector_store %arg7[%swap3A_92], %swap3A_95 {strides = array<i32>} : memref<10240xf32, #tpu.memory_space<vmem>>, vector<16xf32>,
    %broadcast_in_dim3A_96 = arith.constant 0.000000e+00 : f32
    %broadcast_in_dim3A_97 = vector.broadcast %broadcast_in_dim3A_96 : f32 to vector<16xf32>
    %swap3A_98 = arith.constant 112 : index
    %swap3A_99 = tpu.vector_load %arg7[%swap3A_98] {strides = array<i32>} : memref<10240xf32, #tpu.memory_space<vmem>>, vector<16xf32>,
    %swap3A_100 = vector.shape_cast %swap3A_99 : vector<16xf32> to vector<16xf32>
    %swap3A_101 = vector.shape_cast %broadcast_in_dim3A_97 : vector<16xf32> to vector<16xf32>
    tpu.vector_store %arg7[%swap3A_98], %swap3A_101 {strides = array<i32>} : memref<10240xf32, #tpu.memory_space<vmem>>, vector<16xf32>,
    %broadcast_in_dim3A_102 = arith.constant 0.000000e+00 : f32
    %broadcast_in_dim3A_103 = vector.broadcast %broadcast_in_dim3A_102 : f32 to vector<16xf32>
    %swap3A_104 = arith.constant 128 : index
    %swap3A_105 = tpu.vector_load %arg7[%swap3A_104] {strides = array<i32>} : memref<10240xf32, #tpu.memory_space<vmem>>, vector<16xf32>,
    %swap3A_106 = vector.shape_cast %swap3A_105 : vector<16xf32> to vector<16xf32>
    %swap3A_107 = vector.shape_cast %broadcast_in_dim3A_103 : vector<16xf32> to vector<16xf32>
    tpu.vector_store %arg7[%swap3A_104], %swap3A_107 {strides = array<i32>} : memref<10240xf32, #tpu.memory_space<vmem>>, vector<16xf32>,
    %broadcast_in_dim3A_108 = arith.constant 0.000000e+00 : f32
    %broadcast_in_dim3A_109 = vector.broadcast %broadcast_in_dim3A_108 : f32 to vector<16xf32>
    %swap3A_110 = arith.constant 144 : index
    %swap3A_111 = tpu.vector_load %arg7[%swap3A_110] {strides = array<i32>} : memref<10240xf32, #tpu.memory_space<vmem>>, vector<16xf32>,
    %swap3A_112 = vector.shape_cast %swap3A_111 : vector<16xf32> to vector<16xf32>
    %swap3A_113 = vector.shape_cast %broadcast_in_dim3A_109 : vector<16xf32> to vector<16xf32>
    tpu.vector_store %arg7[%swap3A_110], %swap3A_113 {strides = array<i32>} : memref<10240xf32, #tpu.memory_space<vmem>>, vector<16xf32>,
    %broadcast_in_dim3A_114 = arith.constant 0.000000e+00 : f32
    %broadcast_in_dim3A_115 = vector.broadcast %broadcast_in_dim3A_114 : f32 to vector<16xf32>
    %swap3A_116 = arith.constant 160 : index
    %swap3A_117 = tpu.vector_load %arg7[%swap3A_116] {strides = array<i32>} : memref<10240xf32, #tpu.memory_space<vmem>>, vector<16xf32>,
    %swap3A_118 = vector.shape_cast %swap3A_117 : vector<16xf32> to vector<16xf32>
    %swap3A_119 = vector.shape_cast %broadcast_in_dim3A_115 : vector<16xf32> to vector<16xf32>
    tpu.vector_store %arg7[%swap3A_116], %swap3A_119 {strides = array<i32>} : memref<10240xf32, #tpu.memory_space<vmem>>, vector<16xf32>,
    %broadcast_in_dim3A_120 = arith.constant 0.000000e+00 : f32
    %broadcast_in_dim3A_121 = vector.broadcast %broadcast_in_dim3A_120 : f32 to vector<16xf32>
    %swap3A_122 = arith.constant 176 : index
    %swap3A_123 = tpu.vector_load %arg7[%swap3A_122] {strides = array<i32>} : memref<10240xf32, #tpu.memory_space<vmem>>, vector<16xf32>,
    %swap3A_124 = vector.shape_cast %swap3A_123 : vector<16xf32> to vector<16xf32>
    %swap3A_125 = vector.shape_cast %broadcast_in_dim3A_121 : vector<16xf32> to vector<16xf32>
    tpu.vector_store %arg7[%swap3A_122], %swap3A_125 {strides = array<i32>} : memref<10240xf32, #tpu.memory_space<vmem>>, vector<16xf32>,
    %broadcast_in_dim3A_126 = arith.constant 0.000000e+00 : f32
    %broadcast_in_dim3A_127 = vector.broadcast %broadcast_in_dim3A_126 : f32 to vector<16xf32>
    %swap3A_128 = arith.constant 192 : index
    %swap3A_129 = tpu.vector_load %arg7[%swap3A_128] {strides = array<i32>} : memref<10240xf32, #tpu.memory_space<vmem>>, vector<16xf32>,
    %swap3A_130 = vector.shape_cast %swap3A_129 : vector<16xf32> to vector<16xf32>
    %swap3A_131 = vector.shape_cast %broadcast_in_dim3A_127 : vector<16xf32> to vector<16xf32>
    tpu.vector_store %arg7[%swap3A_128], %swap3A_131 {strides = array<i32>} : memref<10240xf32, #tpu.memory_space<vmem>>, vector<16xf32>,
    %broadcast_in_dim3A_132 = arith.constant 0.000000e+00 : f32
    %broadcast_in_dim3A_133 = vector.broadcast %broadcast_in_dim3A_132 : f32 to vector<16xf32>
    %swap3A_134 = arith.constant 208 : index
    %swap3A_135 = tpu.vector_load %arg7[%swap3A_134] {strides = array<i32>} : memref<10240xf32, #tpu.memory_space<vmem>>, vector<16xf32>,
    %swap3A_136 = vector.shape_cast %swap3A_135 : vector<16xf32> to vector<16xf32>
    %swap3A_137 = vector.shape_cast %broadcast_in_dim3A_133 : vector<16xf32> to vector<16xf32>
    tpu.vector_store %arg7[%swap3A_134], %swap3A_137 {strides = array<i32>} : memref<10240xf32, #tpu.memory_space<vmem>>, vector<16xf32>,
    %broadcast_in_dim3A_138 = arith.constant 0.000000e+00 : f32
    %broadcast_in_dim3A_139 = vector.broadcast %broadcast_in_dim3A_138 : f32 to vector<16xf32>
    %swap3A_140 = arith.constant 224 : index
    %swap3A_141 = tpu.vector_load %arg7[%swap3A_140] {strides = array<i32>} : memref<10240xf32, #tpu.memory_space<vmem>>, vector<16xf32>,
    %swap3A_142 = vector.shape_cast %swap3A_141 : vector<16xf32> to vector<16xf32>
    %swap3A_143 = vector.shape_cast %broadcast_in_dim3A_139 : vector<16xf32> to vector<16xf32>
    tpu.vector_store %arg7[%swap3A_140], %swap3A_143 {strides = array<i32>} : memref<10240xf32, #tpu.memory_space<vmem>>, vector<16xf32>,
    %broadcast_in_dim3A_144 = arith.constant 0.000000e+00 : f32
    %broadcast_in_dim3A_145 = vector.broadcast %broadcast_in_dim3A_144 : f32 to vector<16xf32>
    %swap3A_146 = arith.constant 240 : index
    %swap3A_147 = tpu.vector_load %arg7[%swap3A_146] {strides = array<i32>} : memref<10240xf32, #tpu.memory_space<vmem>>, vector<16xf32>,
    %swap3A_148 = vector.shape_cast %swap3A_147 : vector<16xf32> to vector<16xf32>
    %swap3A_149 = vector.shape_cast %broadcast_in_dim3A_145 : vector<16xf32> to vector<16xf32>
    tpu.vector_store %arg7[%swap3A_146], %swap3A_149 {strides = array<i32>} : memref<10240xf32, #tpu.memory_space<vmem>>, vector<16xf32>,
    %broadcast_in_dim3A_150 = arith.constant 0.000000e+00 : f32
    %broadcast_in_dim3A_151 = vector.broadcast %broadcast_in_dim3A_150 : f32 to vector<16xf32>
    %swap3A_152 = arith.constant 256 : index
    %swap3A_153 = tpu.vector_load %arg7[%swap3A_152] {strides = array<i32>} : memref<10240xf32, #tpu.memory_space<vmem>>, vector<16xf32>,
    %swap3A_154 = vector.shape_cast %swap3A_153 : vector<16xf32> to vector<16xf32>
    %swap3A_155 = vector.shape_cast %broadcast_in_dim3A_151 : vector<16xf32> to vector<16xf32>
    tpu.vector_store %arg7[%swap3A_152], %swap3A_155 {strides = array<i32>} : memref<10240xf32, #tpu.memory_space<vmem>>, vector<16xf32>,
    %broadcast_in_dim3A_156 = arith.constant 0.000000e+00 : f32
    %broadcast_in_dim3A_157 = vector.broadcast %broadcast_in_dim3A_156 : f32 to vector<16xf32>
    %swap3A_158 = arith.constant 272 : index
    %swap3A_159 = tpu.vector_load %arg7[%swap3A_158] {strides = array<i32>} : memref<10240xf32, #tpu.memory_space<vmem>>, vector<16xf32>,
    %swap3A_160 = vector.shape_cast %swap3A_159 : vector<16xf32> to vector<16xf32>
    %swap3A_161 = vector.shape_cast %broadcast_in_dim3A_157 : vector<16xf32> to vector<16xf32>
    tpu.vector_store %arg7[%swap3A_158], %swap3A_161 {strides = array<i32>} : memref<10240xf32, #tpu.memory_space<vmem>>, vector<16xf32>,
    %broadcast_in_dim3A_162 = arith.constant 0.000000e+00 : f32
    %broadcast_in_dim3A_163 = vector.broadcast %broadcast_in_dim3A_162 : f32 to vector<16xf32>
    %swap3A_164 = arith.constant 288 : index
    %swap3A_165 = tpu.vector_load %arg7[%swap3A_164] {strides = array<i32>} : memref<10240xf32, #tpu.memory_space<vmem>>, vector<16xf32>,
    %swap3A_166 = vector.shape_cast %swap3A_165 : vector<16xf32> to vector<16xf32>
    %swap3A_167 = vector.shape_cast %broadcast_in_dim3A_163 : vector<16xf32> to vector<16xf32>
    tpu.vector_store %arg7[%swap3A_164], %swap3A_167 {strides = array<i32>} : memref<10240xf32, #tpu.memory_space<vmem>>, vector<16xf32>,
    %broadcast_in_dim3A_168 = arith.constant 0.000000e+00 : f32
    %broadcast_in_dim3A_169 = vector.broadcast %broadcast_in_dim3A_168 : f32 to vector<16xf32>
    %swap3A_170 = arith.constant 304 : index
    %swap3A_171 = tpu.vector_load %arg7[%swap3A_170] {strides = array<i32>} : memref<10240xf32, #tpu.memory_space<vmem>>, vector<16xf32>,
    %swap3A_172 = vector.shape_cast %swap3A_171 : vector<16xf32> to vector<16xf32>
    %swap3A_173 = vector.shape_cast %broadcast_in_dim3A_169 : vector<16xf32> to vector<16xf32>
    tpu.vector_store %arg7[%swap3A_170], %swap3A_173 {strides = array<i32>} : memref<10240xf32, #tpu.memory_space<vmem>>, vector<16xf32>,
    %broadcast_in_dim3A_174 = arith.constant 0.000000e+00 : f32
    %broadcast_in_dim3A_175 = vector.broadcast %broadcast_in_dim3A_174 : f32 to vector<16xf32>
    %swap3A_176 = arith.constant 320 : index
    %swap3A_177 = tpu.vector_load %arg7[%swap3A_176] {strides = array<i32>} : memref<10240xf32, #tpu.memory_space<vmem>>, vector<16xf32>,
    %swap3A_178 = vector.shape_cast %swap3A_177 : vector<16xf32> to vector<16xf32>
    %swap3A_179 = vector.shape_cast %broadcast_in_dim3A_175 : vector<16xf32> to vector<16xf32>
    tpu.vector_store %arg7[%swap3A_176], %swap3A_179 {strides = array<i32>} : memref<10240xf32, #tpu.memory_space<vmem>>, vector<16xf32>,
    %broadcast_in_dim3A_180 = arith.constant 0.000000e+00 : f32
    %broadcast_in_dim3A_181 = vector.broadcast %broadcast_in_dim3A_180 : f32 to vector<16xf32>
    %swap3A_182 = arith.constant 336 : index
    %swap3A_183 = tpu.vector_load %arg7[%swap3A_182] {strides = array<i32>} : memref<10240xf32, #tpu.memory_space<vmem>>, vector<16xf32>,
    %swap3A_184 = vector.shape_cast %swap3A_183 : vector<16xf32> to vector<16xf32>
    %swap3A_185 = vector.shape_cast %broadcast_in_dim3A_181 : vector<16xf32> to vector<16xf32>
    tpu.vector_store %arg7[%swap3A_182], %swap3A_185 {strides = array<i32>} : memref<10240xf32, #tpu.memory_space<vmem>>, vector<16xf32>,
    %broadcast_in_dim3A_186 = arith.constant 0.000000e+00 : f32
    %broadcast_in_dim3A_187 = vector.broadcast %broadcast_in_dim3A_186 : f32 to vector<16xf32>
    %swap3A_188 = arith.constant 352 : index
    %swap3A_189 = tpu.vector_load %arg7[%swap3A_188] {strides = array<i32>} : memref<10240xf32, #tpu.memory_space<vmem>>, vector<16xf32>,
    %swap3A_190 = vector.shape_cast %swap3A_189 : vector<16xf32> to vector<16xf32>
    %swap3A_191 = vector.shape_cast %broadcast_in_dim3A_187 : vector<16xf32> to vector<16xf32>
    tpu.vector_store %arg7[%swap3A_188], %swap3A_191 {strides = array<i32>} : memref<10240xf32, #tpu.memory_space<vmem>>, vector<16xf32>,
    %broadcast_in_dim3A_192 = arith.constant 0.000000e+00 : f32
    %broadcast_in_dim3A_193 = vector.broadcast %broadcast_in_dim3A_192 : f32 to vector<16xf32>
    %swap3A_194 = arith.constant 368 : index
    %swap3A_195 = tpu.vector_load %arg7[%swap3A_194] {strides = array<i32>} : memref<10240xf32, #tpu.memory_space<vmem>>, vector<16xf32>,
    %swap3A_196 = vector.shape_cast %swap3A_195 : vector<16xf32> to vector<16xf32>
    %swap3A_197 = vector.shape_cast %broadcast_in_dim3A_193 : vector<16xf32> to vector<16xf32>
    tpu.vector_store %arg7[%swap3A_194], %swap3A_197 {strides = array<i32>} : memref<10240xf32, #tpu.memory_space<vmem>>, vector<16xf32>,
    %broadcast_in_dim3A_198 = arith.constant 0.000000e+00 : f32
    %broadcast_in_dim3A_199 = vector.broadcast %broadcast_in_dim3A_198 : f32 to vector<16xf32>
    %swap3A_200 = arith.constant 384 : index
    %swap3A_201 = tpu.vector_load %arg7[%swap3A_200] {strides = array<i32>} : memref<10240xf32, #tpu.memory_space<vmem>>, vector<16xf32>,
    %swap3A_202 = vector.shape_cast %swap3A_201 : vector<16xf32> to vector<16xf32>
    %swap3A_203 = vector.shape_cast %broadcast_in_dim3A_199 : vector<16xf32> to vector<16xf32>
    tpu.vector_store %arg7[%swap3A_200], %swap3A_203 {strides = array<i32>} : memref<10240xf32, #tpu.memory_space<vmem>>, vector<16xf32>,
    %broadcast_in_dim3A_204 = arith.constant 0.000000e+00 : f32
    %broadcast_in_dim3A_205 = vector.broadcast %broadcast_in_dim3A_204 : f32 to vector<16xf32>
    %swap3A_206 = arith.constant 400 : index
    %swap3A_207 = tpu.vector_load %arg7[%swap3A_206] {strides = array<i32>} : memref<10240xf32, #tpu.memory_space<vmem>>, vector<16xf32>,
    %swap3A_208 = vector.shape_cast %swap3A_207 : vector<16xf32> to vector<16xf32>
    %swap3A_209 = vector.shape_cast %broadcast_in_dim3A_205 : vector<16xf32> to vector<16xf32>
    tpu.vector_store %arg7[%swap3A_206], %swap3A_209 {strides = array<i32>} : memref<10240xf32, #tpu.memory_space<vmem>>, vector<16xf32>,
    %broadcast_in_dim3A_210 = arith.constant 0.000000e+00 : f32
    %broadcast_in_dim3A_211 = vector.broadcast %broadcast_in_dim3A_210 : f32 to vector<16xf32>
    %swap3A_212 = arith.constant 416 : index
    %swap3A_213 = tpu.vector_load %arg7[%swap3A_212] {strides = array<i32>} : memref<10240xf32, #tpu.memory_space<vmem>>, vector<16xf32>,
    %swap3A_214 = vector.shape_cast %swap3A_213 : vector<16xf32> to vector<16xf32>
    %swap3A_215 = vector.shape_cast %broadcast_in_dim3A_211 : vector<16xf32> to vector<16xf32>
    tpu.vector_store %arg7[%swap3A_212], %swap3A_215 {strides = array<i32>} : memref<10240xf32, #tpu.memory_space<vmem>>, vector<16xf32>,
    %broadcast_in_dim3A_216 = arith.constant 0.000000e+00 : f32
    %broadcast_in_dim3A_217 = vector.broadcast %broadcast_in_dim3A_216 : f32 to vector<16xf32>
    %swap3A_218 = arith.constant 432 : index
    %swap3A_219 = tpu.vector_load %arg7[%swap3A_218] {strides = array<i32>} : memref<10240xf32, #tpu.memory_space<vmem>>, vector<16xf32>,
    %swap3A_220 = vector.shape_cast %swap3A_219 : vector<16xf32> to vector<16xf32>
    %swap3A_221 = vector.shape_cast %broadcast_in_dim3A_217 : vector<16xf32> to vector<16xf32>
    tpu.vector_store %arg7[%swap3A_218], %swap3A_221 {strides = array<i32>} : memref<10240xf32, #tpu.memory_space<vmem>>, vector<16xf32>,
    %broadcast_in_dim3A_222 = arith.constant 0.000000e+00 : f32
    %broadcast_in_dim3A_223 = vector.broadcast %broadcast_in_dim3A_222 : f32 to vector<16xf32>
    %swap3A_224 = arith.constant 448 : index
    %swap3A_225 = tpu.vector_load %arg7[%swap3A_224] {strides = array<i32>} : memref<10240xf32, #tpu.memory_space<vmem>>, vector<16xf32>,
    %swap3A_226 = vector.shape_cast %swap3A_225 : vector<16xf32> to vector<16xf32>
    %swap3A_227 = vector.shape_cast %broadcast_in_dim3A_223 : vector<16xf32> to vector<16xf32>
    tpu.vector_store %arg7[%swap3A_224], %swap3A_227 {strides = array<i32>} : memref<10240xf32, #tpu.memory_space<vmem>>, vector<16xf32>,
    %broadcast_in_dim3A_228 = arith.constant 0.000000e+00 : f32
    %broadcast_in_dim3A_229 = vector.broadcast %broadcast_in_dim3A_228 : f32 to vector<16xf32>
    %swap3A_230 = arith.constant 464 : index
    %swap3A_231 = tpu.vector_load %arg7[%swap3A_230] {strides = array<i32>} : memref<10240xf32, #tpu.memory_space<vmem>>, vector<16xf32>,
    %swap3A_232 = vector.shape_cast %swap3A_231 : vector<16xf32> to vector<16xf32>
    %swap3A_233 = vector.shape_cast %broadcast_in_dim3A_229 : vector<16xf32> to vector<16xf32>
    tpu.vector_store %arg7[%swap3A_230], %swap3A_233 {strides = array<i32>} : memref<10240xf32, #tpu.memory_space<vmem>>, vector<16xf32>,
    %broadcast_in_dim3A_234 = arith.constant 0.000000e+00 : f32
    %broadcast_in_dim3A_235 = vector.broadcast %broadcast_in_dim3A_234 : f32 to vector<16xf32>
    %swap3A_236 = arith.constant 480 : index
    %swap3A_237 = tpu.vector_load %arg7[%swap3A_236] {strides = array<i32>} : memref<10240xf32, #tpu.memory_space<vmem>>, vector<16xf32>,
    %swap3A_238 = vector.shape_cast %swap3A_237 : vector<16xf32> to vector<16xf32>
    %swap3A_239 = vector.shape_cast %broadcast_in_dim3A_235 : vector<16xf32> to vector<16xf32>
    tpu.vector_store %arg7[%swap3A_236], %swap3A_239 {strides = array<i32>} : memref<10240xf32, #tpu.memory_space<vmem>>, vector<16xf32>,
    %broadcast_in_dim3A_240 = arith.constant 0.000000e+00 : f32
    %broadcast_in_dim3A_241 = vector.broadcast %broadcast_in_dim3A_240 : f32 to vector<16xf32>
    %swap3A_242 = arith.constant 496 : index
    %swap3A_243 = tpu.vector_load %arg7[%swap3A_242] {strides = array<i32>} : memref<10240xf32, #tpu.memory_space<vmem>>, vector<16xf32>,
    %swap3A_244 = vector.shape_cast %swap3A_243 : vector<16xf32> to vector<16xf32>
    %swap3A_245 = vector.shape_cast %broadcast_in_dim3A_241 : vector<16xf32> to vector<16xf32>
    tpu.vector_store %arg7[%swap3A_242], %swap3A_245 {strides = array<i32>} : memref<10240xf32, #tpu.memory_space<vmem>>, vector<16xf32>,
    %broadcast_in_dim3A_246 = arith.constant 0.000000e+00 : f32
    %broadcast_in_dim3A_247 = vector.broadcast %broadcast_in_dim3A_246 : f32 to vector<16xf32>
    %swap3A_248 = arith.constant 512 : index
    %swap3A_249 = tpu.vector_load %arg7[%swap3A_248] {strides = array<i32>} : memref<10240xf32, #tpu.memory_space<vmem>>, vector<16xf32>,
    %swap3A_250 = vector.shape_cast %swap3A_249 : vector<16xf32> to vector<16xf32>
    %swap3A_251 = vector.shape_cast %broadcast_in_dim3A_247 : vector<16xf32> to vector<16xf32>
    tpu.vector_store %arg7[%swap3A_248], %swap3A_251 {strides = array<i32>} : memref<10240xf32, #tpu.memory_space<vmem>>, vector<16xf32>,
    %broadcast_in_dim3A_252 = arith.constant 0.000000e+00 : f32
    %broadcast_in_dim3A_253 = vector.broadcast %broadcast_in_dim3A_252 : f32 to vector<16xf32>
    %swap3A_254 = arith.constant 528 : index
    %swap3A_255 = tpu.vector_load %arg7[%swap3A_254] {strides = array<i32>} : memref<10240xf32, #tpu.memory_space<vmem>>, vector<16xf32>,
    %swap3A_256 = vector.shape_cast %swap3A_255 : vector<16xf32> to vector<16xf32>
    %swap3A_257 = vector.shape_cast %broadcast_in_dim3A_253 : vector<16xf32> to vector<16xf32>
    tpu.vector_store %arg7[%swap3A_254], %swap3A_257 {strides = array<i32>} : memref<10240xf32, #tpu.memory_space<vmem>>, vector<16xf32>,
    %broadcast_in_dim3A_258 = arith.constant 0.000000e+00 : f32
    %broadcast_in_dim3A_259 = vector.broadcast %broadcast_in_dim3A_258 : f32 to vector<16xf32>
    %swap3A_260 = arith.constant 544 : index
    %swap3A_261 = tpu.vector_load %arg7[%swap3A_260] {strides = array<i32>} : memref<10240xf32, #tpu.memory_space<vmem>>, vector<16xf32>,
    %swap3A_262 = vector.shape_cast %swap3A_261 : vector<16xf32> to vector<16xf32>
    %swap3A_263 = vector.shape_cast %broadcast_in_dim3A_259 : vector<16xf32> to vector<16xf32>
    tpu.vector_store %arg7[%swap3A_260], %swap3A_263 {strides = array<i32>} : memref<10240xf32, #tpu.memory_space<vmem>>, vector<16xf32>,
    %broadcast_in_dim3A_264 = arith.constant 0.000000e+00 : f32
    %broadcast_in_dim3A_265 = vector.broadcast %broadcast_in_dim3A_264 : f32 to vector<16xf32>
    %swap3A_266 = arith.constant 560 : index
    %swap3A_267 = tpu.vector_load %arg7[%swap3A_266] {strides = array<i32>} : memref<10240xf32, #tpu.memory_space<vmem>>, vector<16xf32>,
    %swap3A_268 = vector.shape_cast %swap3A_267 : vector<16xf32> to vector<16xf32>
    %swap3A_269 = vector.shape_cast %broadcast_in_dim3A_265 : vector<16xf32> to vector<16xf32>
    tpu.vector_store %arg7[%swap3A_266], %swap3A_269 {strides = array<i32>} : memref<10240xf32, #tpu.memory_space<vmem>>, vector<16xf32>,
    %broadcast_in_dim3A_270 = arith.constant 0.000000e+00 : f32
    %broadcast_in_dim3A_271 = vector.broadcast %broadcast_in_dim3A_270 : f32 to vector<16xf32>
    %swap3A_272 = arith.constant 576 : index
    %swap3A_273 = tpu.vector_load %arg7[%swap3A_272] {strides = array<i32>} : memref<10240xf32, #tpu.memory_space<vmem>>, vector<16xf32>,
    %swap3A_274 = vector.shape_cast %swap3A_273 : vector<16xf32> to vector<16xf32>
    %swap3A_275 = vector.shape_cast %broadcast_in_dim3A_271 : vector<16xf32> to vector<16xf32>
    tpu.vector_store %arg7[%swap3A_272], %swap3A_275 {strides = array<i32>} : memref<10240xf32, #tpu.memory_space<vmem>>, vector<16xf32>,
    %broadcast_in_dim3A_276 = arith.constant 0.000000e+00 : f32
    %broadcast_in_dim3A_277 = vector.broadcast %broadcast_in_dim3A_276 : f32 to vector<16xf32>
    %swap3A_278 = arith.constant 592 : index
    %swap3A_279 = tpu.vector_load %arg7[%swap3A_278] {strides = array<i32>} : memref<10240xf32, #tpu.memory_space<vmem>>, vector<16xf32>,
    %swap3A_280 = vector.shape_cast %swap3A_279 : vector<16xf32> to vector<16xf32>
    %swap3A_281 = vector.shape_cast %broadcast_in_dim3A_277 : vector<16xf32> to vector<16xf32>
    tpu.vector_store %arg7[%swap3A_278], %swap3A_281 {strides = array<i32>} : memref<10240xf32, #tpu.memory_space<vmem>>, vector<16xf32>,
    %broadcast_in_dim3A_282 = arith.constant 0.000000e+00 : f32
    %broadcast_in_dim3A_283 = vector.broadcast %broadcast_in_dim3A_282 : f32 to vector<16xf32>
    %swap3A_284 = arith.constant 608 : index
    %swap3A_285 = tpu.vector_load %arg7[%swap3A_284] {strides = array<i32>} : memref<10240xf32, #tpu.memory_space<vmem>>, vector<16xf32>,
    %swap3A_286 = vector.shape_cast %swap3A_285 : vector<16xf32> to vector<16xf32>
    %swap3A_287 = vector.shape_cast %broadcast_in_dim3A_283 : vector<16xf32> to vector<16xf32>
    tpu.vector_store %arg7[%swap3A_284], %swap3A_287 {strides = array<i32>} : memref<10240xf32, #tpu.memory_space<vmem>>, vector<16xf32>,
    %broadcast_in_dim3A_288 = arith.constant 0.000000e+00 : f32
    %broadcast_in_dim3A_289 = vector.broadcast %broadcast_in_dim3A_288 : f32 to vector<16xf32>
    %swap3A_290 = arith.constant 624 : index
    %swap3A_291 = tpu.vector_load %arg7[%swap3A_290] {strides = array<i32>} : memref<10240xf32, #tpu.memory_space<vmem>>, vector<16xf32>,
    %swap3A_292 = vector.shape_cast %swap3A_291 : vector<16xf32> to vector<16xf32>
    %swap3A_293 = vector.shape_cast %broadcast_in_dim3A_289 : vector<16xf32> to vector<16xf32>
    tpu.vector_store %arg7[%swap3A_290], %swap3A_293 {strides = array<i32>} : memref<10240xf32, #tpu.memory_space<vmem>>, vector<16xf32>,
    %mul3A_294 = arith.constant 640 : i32
    %mul3A_295 = arith.muli %arg1, %mul3A_294 : i32
    "tpu.region"() ({
      %run_scoped3A = tpu.sem_alloc : memref<!tpu.dma_semaphore, #tpu.memory_space<semaphore_mem>>
      %dma_start3A_332 = arith.constant 0 : i32
      %dma_start3A_333 = tpu.memref_slice %arg7[%dma_start3A_332] : memref<10240xf32, #tpu.memory_space<vmem>> -> memref<640xf32, #tpu.memory_space<vmem>>
      %dma_start3A_334 = tpu.memref_slice %arg8[%mul3A_295] : memref<10240xf32, #tpu.memory_space<vmem_shared>> -> memref<640xf32, #tpu.memory_space<vmem_shared>>
      %dma_start3A_335 = tpu.memref_slice %arg8[%mul3A_295] : memref<10240xf32, #tpu.memory_space<vmem_shared>> -> memref<640xf32, #tpu.memory_space<vmem_shared>>
      %dma_start3A_336 = arith.constant 0 : i32
      %dma_start3A_337 = tpu.memref_slice %arg7[%dma_start3A_336] : memref<10240xf32, #tpu.memory_space<vmem>> -> memref<640xf32, #tpu.memory_space<vmem>>
      tpu.enqueue_dma source(%dma_start3A_337 : memref<640xf32, #tpu.memory_space<vmem>>) target(%dma_start3A_335 : memref<640xf32, #tpu.memory_space<vmem_shared>>) target_semaphore(%run_scoped3A : memref<!tpu.dma_semaphore, #tpu.memory_space<semaphore_mem>>)
      %dma_wait3A_338 = arith.constant 0 : i32
      %dma_wait3A_339 = tpu.memref_slice %arg7[%dma_wait3A_338] : memref<10240xf32, #tpu.memory_space<vmem>> -> memref<640xf32, #tpu.memory_space<vmem>>
      %dma_wait3A_340 = tpu.memref_slice %arg8[%mul3A_295] : memref<10240xf32, #tpu.memory_space<vmem_shared>> -> memref<640xf32, #tpu.memory_space<vmem_shared>>
      %dma_wait3A_341 = tpu.memref_slice %arg8[%mul3A_295] : memref<10240xf32, #tpu.memory_space<vmem_shared>> -> memref<640xf32, #tpu.memory_space<vmem_shared>>
      %dma_wait3A_342 = arith.constant 0 : i32
      %dma_wait3A_343 = tpu.memref_slice %arg7[%dma_wait3A_342] : memref<10240xf32, #tpu.memory_space<vmem>> -> memref<640xf32, #tpu.memory_space<vmem>>
      tpu.wait_dma2 semaphore(%run_scoped3A : memref<!tpu.dma_semaphore, #tpu.memory_space<semaphore_mem>>) src(%dma_wait3A_343 : memref<640xf32, #tpu.memory_space<vmem>>) dst(%dma_wait3A_341 : memref<640xf32, #tpu.memory_space<vmem_shared>>)
      tpu.yield
    }) : () -> ()
    %mul3A_296 = arith.constant 9984 : i32
    %mul3A_297 = arith.muli %add3A, %mul3A_296 : i32
    %dma_wait3A = arith.constant 0 : i32
    %dma_wait3A_298 = tpu.memref_slice %arg2[%dma_wait3A, %mul3A_297] : memref<2x320000xi32, #tpu.memory_space<hbm>> -> memref<2x9984xi32, #tpu.memory_space<hbm>>
    %dma_wait3A_299 = arith.constant 0 : i32
    %dma_wait3A_300 = tpu.memref_slice %arg2[%dma_wait3A_299, %mul3A_297] : memref<2x320000xi32, #tpu.memory_space<hbm>> -> memref<2x9984xi32, #tpu.memory_space<hbm>>
    tpu.wait_dma2 semaphore(%arg10 : memref<!tpu.dma_semaphore, #tpu.memory_space<semaphore_mem>>) src(%dma_wait3A_300 : memref<2x9984xi32, #tpu.memory_space<hbm>>) dst(%arg4 : memref<2x9984xi32, #tpu.memory_space<vmem>>)
    %lt3A_301 = arith.constant 4 : i32
    %lt3A_302 = arith.cmpi slt, %add3A, %lt3A_301 : i32
    %convert_element_type3A_303 = arith.extui %lt3A_302 : i1 to i32
    %cond3A_304 = arith.constant 0 : i32
    %cond3A_305 = arith.cmpi ne, %convert_element_type3A_303, %cond3A_304 : i32
    scf.if %cond3A_305 {
      %mul3A_332 = arith.constant 128 : i32
      %mul3A_333 = arith.muli %add3A, %mul3A_332 : i32
      %add3A_334 = arith.constant 319488 : i32
      %add3A_335 = arith.addi %add3A_334, %mul3A_333 : i32
      %dma_wait3A_336 = arith.constant 0 : i32
      %dma_wait3A_337 = tpu.memref_slice %arg2[%dma_wait3A_336, %add3A_335] : memref<2x320000xi32, #tpu.memory_space<hbm>> -> memref<2x128xi32, #tpu.memory_space<hbm>>
      %dma_wait3A_338 = arith.constant 0 : i32
      %dma_wait3A_339 = tpu.memref_slice %arg2[%dma_wait3A_338, %add3A_335] : memref<2x320000xi32, #tpu.memory_space<hbm>> -> memref<2x128xi32, #tpu.memory_space<hbm>>
      tpu.wait_dma2 semaphore(%arg10 : memref<!tpu.dma_semaphore, #tpu.memory_space<semaphore_mem>>) src(%dma_wait3A_339 : memref<2x128xi32, #tpu.memory_space<hbm>>) dst(%arg5 : memref<2x128xi32, #tpu.memory_space<vmem>>)
    } else {
    }
    %barrier3A = arith.constant 0 : index
    tpu.barrier barrier_id(%barrier3A)
    %scan3A = arith.constant 0 : i32
    %scan3A_306 = arith.constant 0 : i32
    %scan3A_307 = arith.constant 78 : i32
    %scan3A_308 = arith.addi %scan3A_306, %scan3A_307 : i32
    %scan3A_309 = arith.constant 1 : i32
    scf.for %scan3A_332 = %scan3A_306 to %scan3A_308 step %scan3A_309  : i32 {
      %mul3A_333 = arith.constant 128 : i32
      %mul3A_334 = arith.muli %scan3A_332, %mul3A_333 : i32
      %dma_start3A_335 = arith.constant 0 : i32
      %dma_start3A_336 = tpu.memref_slice %arg4[%dma_start3A_335, %mul3A_334] : memref<2x9984xi32, #tpu.memory_space<vmem>> -> memref<1x128xi32, #tpu.memory_space<vmem>>
      %dma_start3A_337 = tpu.memref_squeeze %dma_start3A_336 : memref<1x128xi32, #tpu.memory_space<vmem>> -> memref<128xi32, #tpu.memory_space<vmem>>
      %dma_start3A_338 = arith.constant 0 : i32
      %dma_start3A_339 = tpu.memref_slice %arg8[%dma_start3A_338] : memref<10240xf32, #tpu.memory_space<vmem_shared>> -> memref<10240xf32, #tpu.memory_space<vmem_shared>>
      tpu.enqueue_indirect_dma source(%arg6 : memref<128xf32, #tpu.memory_space<vmem>>) target(%dma_start3A_339 : memref<10240xf32, #tpu.memory_space<vmem_shared>>) offsets(%dma_start3A_337 : memref<128xi32, #tpu.memory_space<vmem>>) semaphore(%arg9 : memref<!tpu.dma_semaphore, #tpu.memory_space<semaphore_mem>>) {add = true}
    }
    %scan3A_310 = arith.constant 78 : i32
    %lt3A_311 = arith.constant 4 : i32
    %lt3A_312 = arith.cmpi slt, %add3A, %lt3A_311 : i32
    %convert_element_type3A_313 = arith.extui %lt3A_312 : i1 to i32
    %cond3A_314 = arith.constant 0 : i32
    %cond3A_315 = arith.cmpi ne, %convert_element_type3A_313, %cond3A_314 : i32
    scf.if %cond3A_315 {
      %dma_start3A_332 = arith.constant 0 : i32
      %dma_start3A_333 = arith.constant 0 : i32
      %dma_start3A_334 = tpu.memref_slice %arg5[%dma_start3A_332, %dma_start3A_333] : memref<2x128xi32, #tpu.memory_space<vmem>> -> memref<1x128xi32, #tpu.memory_space<vmem>>
      %dma_start3A_335 = tpu.memref_squeeze %dma_start3A_334 : memref<1x128xi32, #tpu.memory_space<vmem>> -> memref<128xi32, #tpu.memory_space<vmem>>
      %dma_start3A_336 = arith.constant 0 : i32
      %dma_start3A_337 = tpu.memref_slice %arg8[%dma_start3A_336] : memref<10240xf32, #tpu.memory_space<vmem_shared>> -> memref<10240xf32, #tpu.memory_space<vmem_shared>>
      tpu.enqueue_indirect_dma source(%arg6 : memref<128xf32, #tpu.memory_space<vmem>>) target(%dma_start3A_337 : memref<10240xf32, #tpu.memory_space<vmem_shared>>) offsets(%dma_start3A_335 : memref<128xi32, #tpu.memory_space<vmem>>) semaphore(%arg9 : memref<!tpu.dma_semaphore, #tpu.memory_space<semaphore_mem>>) {add = true}
    } else {
    }
    %scan3A_316 = arith.constant 0 : i32
    %scan3A_317 = arith.constant 0 : i32
    %scan3A_318 = arith.constant 78 : i32
    %scan3A_319 = arith.addi %scan3A_317, %scan3A_318 : i32
    %scan3A_320 = arith.constant 1 : i32
    scf.for %scan3A_332 = %scan3A_317 to %scan3A_319 step %scan3A_320  : i32 {
      %dma_wait3A_333 = arith.constant 0 : i32
      %dma_wait3A_334 = arith.constant 0 : i32
      %dma_wait3A_335 = tpu.memref_slice %arg4[%dma_wait3A_333, %dma_wait3A_334] : memref<2x9984xi32, #tpu.memory_space<vmem>> -> memref<1x128xi32, #tpu.memory_space<vmem>>
      %dma_wait3A_336 = tpu.memref_squeeze %dma_wait3A_335 : memref<1x128xi32, #tpu.memory_space<vmem>> -> memref<128xi32, #tpu.memory_space<vmem>>
      %dma_wait3A_337 = arith.constant 0 : i32
      %dma_wait3A_338 = tpu.memref_slice %arg8[%dma_wait3A_337] : memref<10240xf32, #tpu.memory_space<vmem_shared>> -> memref<10240xf32, #tpu.memory_space<vmem_shared>>
      tpu.wait_indirect_dma semaphore(%arg9 : memref<!tpu.dma_semaphore, #tpu.memory_space<semaphore_mem>>) src(%arg6 : memref<128xf32, #tpu.memory_space<vmem>>) dst(%dma_wait3A_338 : memref<10240xf32, #tpu.memory_space<vmem_shared>>)
    }
    %scan3A_321 = arith.constant 78 : i32
    %lt3A_322 = arith.constant 4 : i32
    %lt3A_323 = arith.cmpi slt, %add3A, %lt3A_322 : i32
    %convert_element_type3A_324 = arith.extui %lt3A_323 : i1 to i32
    %cond3A_325 = arith.constant 0 : i32
    %cond3A_326 = arith.cmpi ne, %convert_element_type3A_324, %cond3A_325 : i32
    scf.if %cond3A_326 {
      %dma_wait3A_332 = arith.constant 0 : i32
      %dma_wait3A_333 = arith.constant 0 : i32
      %dma_wait3A_334 = tpu.memref_slice %arg5[%dma_wait3A_332, %dma_wait3A_333] : memref<2x128xi32, #tpu.memory_space<vmem>> -> memref<1x128xi32, #tpu.memory_space<vmem>>
      %dma_wait3A_335 = tpu.memref_squeeze %dma_wait3A_334 : memref<1x128xi32, #tpu.memory_space<vmem>> -> memref<128xi32, #tpu.memory_space<vmem>>
      %dma_wait3A_336 = arith.constant 0 : i32
      %dma_wait3A_337 = tpu.memref_slice %arg8[%dma_wait3A_336] : memref<10240xf32, #tpu.memory_space<vmem_shared>> -> memref<10240xf32, #tpu.memory_space<vmem_shared>>
      tpu.wait_indirect_dma semaphore(%arg9 : memref<!tpu.dma_semaphore, #tpu.memory_space<semaphore_mem>>) src(%arg6 : memref<128xf32, #tpu.memory_space<vmem>>) dst(%dma_wait3A_337 : memref<10240xf32, #tpu.memory_space<vmem_shared>>)
    } else {
    }
    %barrier3A_327 = arith.constant 0 : index
    tpu.barrier barrier_id(%barrier3A_327)
    %eq3A = arith.constant 0 : i32
    %eq3A_328 = arith.cmpi eq, %arg1, %eq3A : i32
    %convert_element_type3A_329 = arith.extui %eq3A_328 : i1 to i32
    %cond3A_330 = arith.constant 0 : i32
    %cond3A_331 = arith.cmpi ne, %convert_element_type3A_329, %cond3A_330 : i32
    scf.if %cond3A_331 {
      "tpu.region"() ({
        %run_scoped3A = tpu.sem_alloc : memref<!tpu.dma_semaphore, #tpu.memory_space<semaphore_mem>>
        tpu.enqueue_dma source(%arg8 : memref<10240xf32, #tpu.memory_space<vmem_shared>>) target(%arg7 : memref<10240xf32, #tpu.memory_space<vmem>>) target_semaphore(%run_scoped3A : memref<!tpu.dma_semaphore, #tpu.memory_space<semaphore_mem>>)
        tpu.wait_dma2 semaphore(%run_scoped3A : memref<!tpu.dma_semaphore, #tpu.memory_space<semaphore_mem>>) src(%arg8 : memref<10240xf32, #tpu.memory_space<vmem_shared>>) dst(%arg7 : memref<10240xf32, #tpu.memory_space<vmem>>)
        tpu.yield
      }) : () -> ()
      %mul3A_332 = arith.constant 10240 : i32
      %mul3A_333 = arith.muli %arg0, %mul3A_332 : i32
      "tpu.region"() ({
        %run_scoped3A = tpu.sem_alloc : memref<!tpu.dma_semaphore, #tpu.memory_space<semaphore_mem>>
        %dma_start3A_334 = tpu.memref_slice %arg3[%mul3A_333] : memref<20480xf32, #tpu.memory_space<hbm>> -> memref<10240xf32, #tpu.memory_space<hbm>>
        %dma_start3A_335 = tpu.memref_slice %arg3[%mul3A_333] : memref<20480xf32, #tpu.memory_space<hbm>> -> memref<10240xf32, #tpu.memory_space<hbm>>
        tpu.enqueue_dma source(%arg7 : memref<10240xf32, #tpu.memory_space<vmem>>) target(%dma_start3A_335 : memref<10240xf32, #tpu.memory_space<hbm>>) target_semaphore(%run_scoped3A : memref<!tpu.dma_semaphore, #tpu.memory_space<semaphore_mem>>)
        %dma_wait3A_336 = tpu.memref_slice %arg3[%mul3A_333] : memref<20480xf32, #tpu.memory_space<hbm>> -> memref<10240xf32, #tpu.memory_space<hbm>>
        %dma_wait3A_337 = tpu.memref_slice %arg3[%mul3A_333] : memref<20480xf32, #tpu.memory_space<hbm>> -> memref<10240xf32, #tpu.memory_space<hbm>>
        tpu.wait_dma2 semaphore(%run_scoped3A : memref<!tpu.dma_semaphore, #tpu.memory_space<semaphore_mem>>) src(%arg7 : memref<10240xf32, #tpu.memory_space<vmem>>) dst(%dma_wait3A_337 : memref<10240xf32, #tpu.memory_space<hbm>>)
        tpu.yield
      }) : () -> ()
    } else {
    }
    return
  }
}

module attributes {stable_mosaic.version = 14 : i64} {
  func.func @_scale_body(%arg0: i32, %arg1: memref<5000x128xf32, #tpu.memory_space<vmem>>, %arg2: memref<2x1x1x5000xf32, #tpu.memory_space<vmem>>, %arg3: memref<1x128xf32, #tpu.memory_space<vmem>>, %arg4: memref<1x128xf32, #tpu.memory_space<vmem>>, %arg5: memref<5000x128xf32, #tpu.memory_space<vmem>>) attributes {dimension_semantics = [#tpu.dimension_semantics<arbitrary>], iteration_bounds = array<i64: 2>, scalar_prefetch = 0 : i64, scratch_operands = 0 : i64, tpu.core_type = #tpu.core_type<tc>, window_params = [{transform_indices = @transform_0, window_bounds = array<i64: 5000, 128>}, {transform_indices = @transform_1, window_bounds = array<i64: 2, 1, 1, 5000>}, {pipeline_mode = #tpu.pipeline_mode<synchronous>, transform_indices = @transform_2, window_bounds = array<i64: 1, 128>}, {pipeline_mode = #tpu.pipeline_mode<synchronous>, transform_indices = @transform_3, window_bounds = array<i64: 1, 128>}, {transform_indices = @transform_4, window_bounds = array<i64: 5000, 128>}]} {
    %get3A = arith.constant 0 : index
    %get3A_0 = arith.constant 0 : index
    %get3A_1 = arith.constant 0 : index
    %get3A_2 = arith.constant 0 : index
    %get3A_3 = vector.load %arg2[%get3A, %get3A_0, %get3A_1, %get3A_2] : memref<2x1x1x5000xf32, #tpu.memory_space<vmem>>, vector<1x1x1x5000xf32>
    %get3A_4 = vector.shape_cast %get3A_3 : vector<1x1x1x5000xf32> to vector<5000xf32>
    %get3A_5 = arith.constant 1 : index
    %get3A_6 = arith.constant 0 : index
    %get3A_7 = arith.constant 0 : index
    %get3A_8 = arith.constant 0 : index
    %get3A_9 = vector.load %arg2[%get3A_5, %get3A_6, %get3A_7, %get3A_8] : memref<2x1x1x5000xf32, #tpu.memory_space<vmem>>, vector<1x1x1x5000xf32>
    %get3A_10 = vector.shape_cast %get3A_9 : vector<1x1x1x5000xf32> to vector<5000xf32>
    %add3A = arith.addf %get3A_4, %get3A_10 : vector<5000xf32>
    %add3A_11 = arith.constant 1.000000e+00 : f32
    %add3A_12 = vector.broadcast %add3A_11 : f32 to vector<5000xf32>
    %add3A_13 = arith.addf %add3A_12, %add3A : vector<5000xf32>
    %log3A = math.log %add3A_13 : vector<5000xf32>
    %reshape3A = vector.shape_cast %log3A : vector<5000xf32> to vector<5000x1xf32>
    %get3A_14 = arith.constant 0 : index
    %get3A_15 = arith.constant 0 : index
    %get3A_16 = vector.load %arg1[%get3A_14, %get3A_15] : memref<5000x128xf32, #tpu.memory_space<vmem>>, vector<5000x128xf32>
    %get3A_17 = arith.constant 0 : index
    %get3A_18 = arith.constant 0 : index
    %get3A_19 = vector.load %arg3[%get3A_17, %get3A_18] : memref<1x128xf32, #tpu.memory_space<vmem>>, vector<1x128xf32>
    %get3A_20 = arith.constant 0 : index
    %get3A_21 = arith.constant 0 : index
    %get3A_22 = vector.load %arg4[%get3A_20, %get3A_21] : memref<1x128xf32, #tpu.memory_space<vmem>>, vector<1x128xf32>
    %mul3A = vector.broadcast %reshape3A : vector<5000x1xf32> to vector<5000x128xf32>
    %mul3A_23 = vector.broadcast %get3A_22 : vector<1x128xf32> to vector<5000x128xf32>
    %mul3A_24 = arith.mulf %mul3A, %mul3A_23 : vector<5000x128xf32>
    %add3A_25 = vector.broadcast %get3A_19 : vector<1x128xf32> to vector<5000x128xf32>
    %add3A_26 = arith.addf %add3A_25, %mul3A_24 : vector<5000x128xf32>
    %mul3A_27 = arith.mulf %get3A_16, %add3A_26 : vector<5000x128xf32>
    %swap3A = arith.constant 0 : index
    %swap3A_28 = arith.constant 0 : index
    %swap3A_29 = vector.load %arg5[%swap3A, %swap3A_28] : memref<5000x128xf32, #tpu.memory_space<vmem>>, vector<5000x128xf32>
    tpu.vector_store %arg5[%swap3A, %swap3A_28], %mul3A_27 {strides = array<i32>} : memref<5000x128xf32, #tpu.memory_space<vmem>>, vector<5000x128xf32>,
    return
  }
  func.func @transform_0(%arg0: i32) -> (i32, i32) {
    %c0_i32 = arith.constant 0 : i32
    %c0_i32_0 = arith.constant 0 : i32
    return %arg0, %c0_i32 : i32, i32
  }
  func.func @transform_1(%arg0: i32) -> (i32, i32, i32, i32) {
    %c0_i32 = arith.constant 0 : i32
    %c0_i32_0 = arith.constant 0 : i32
    %c0_i32_1 = arith.constant 0 : i32
    %c0_i32_2 = arith.constant 0 : i32
    return %c0_i32, %arg0, %c0_i32_0, %c0_i32_1 : i32, i32, i32, i32
  }
  func.func @transform_2(%arg0: i32) -> (i32, i32) {
    %c0_i32 = arith.constant 0 : i32
    %c0_i32_0 = arith.constant 0 : i32
    %c0_i32_1 = arith.constant 0 : i32
    return %c0_i32, %c0_i32_0 : i32, i32
  }
  func.func @transform_3(%arg0: i32) -> (i32, i32) {
    %c0_i32 = arith.constant 0 : i32
    %c0_i32_0 = arith.constant 0 : i32
    %c0_i32_1 = arith.constant 0 : i32
    return %c0_i32, %c0_i32_0 : i32, i32
  }
  func.func @transform_4(%arg0: i32) -> (i32, i32) {
    %c0_i32 = arith.constant 0 : i32
    %c0_i32_0 = arith.constant 0 : i32
    return %arg0, %c0_i32 : i32, i32
  }
}

</mosaic_0001>

<sc_bundles>
// kernel: kernel.4.cloned.1.call-start
scs
__scs_entry_jumppad:
0x0: {  	(pc) =	sbr.rel $0x88, $3  }
0x1: {  	(tag) =	ssettag $0x0;
	lr =	simm.s32 $0x1  }
0x2: {  	[smem:$0x3F9D] =	sst lr;
	_ =	strace $0xD0000000  }
0x3: {  	_ = 	snop  }
0x4: {  	_ = 	snop  }
0x5: {  	_ = 	snop  }
0x6: {  	_ = 	snop  }
0x7: {  	_ = 	snop  }
__scs_overlays_trampoline_lowered:
0x8: {  	[smem:$0x3FAC] =	sst s0  }
0x9: {  	[smem:$0x3FAD] =	sst s1  }
0xa: {  	[smem:$0x3FAE] =	sst s2  }
0xb: {  	[smem:$0x3FAF] =	sst s3  }
0xc: {  	[smem:$0x3FB0] =	sst s4  }
0xd: {  	[smem:$0x3FB1] =	sst s5  }
0xe: {  	[smem:$0x3FB2] =	sst s6  }
0xf: {  	[smem:$0x3FB3] =	sst s7  }
0x10: {  	[smem:$0x3FB4] =	sst s8  }
0x11: {  	[smem:$0x3FB5] =	sst s9;
	s0 =	simm.s32 @!p0 $0x0  }
0x12: {  	s1 =	sld [smem:$0x3F9B];
	s0 =	simm.s32 @p0 $0x1  }
0x13: {  	[smem:$0x3FB6] =	sst s0;
	s0 =	simm.s32 @!p1 $0x0  }
0x14: {  	s2 =	sld [smem:$0x3F9A];
	s0 =	simm.s32 @p1 $0x1  }
0x15: {  	[smem:$0x3FB7] =	sst s0;
	s0 =	simm.s32 @!p2 $0x0  }
0x16: {  	s3 =	sld [smem:$0x3FDB];
	s0 =	simm.s32 @p2 $0x1  }
0x17: {  	s4 =	simm.s32 $0x1BF5;
	[smem:$0x3FB9] =	sst s0  }
0x18: {  	s0 =	sld [smem:$0x3F9C];
	_ =	swait.ge [sflag:s4], $0x0  }
0x19: {  	s7 =	sld [smem:$0x3F9D]  }
0x1a: {  	s8 =	sadd.s32 $0xFFFFE003, lr  }
0x1b: {  	s9 =	sadd.s32 $0xFFFFFEF7, lr;
	s5 =	simm.s32 $0xFFFFFFFF;
	p2 =	slt.u32 s8, $0xFFFFF086  }
0x1c: {  	p1 =	slt.u32 s9, $0xF7A;
	s5 =	simm.s32 @!p2 $0x0  }
0x1d: {  	s5 =	simm.s32 @p1 $0x1;
	p0 =	seq.s32 s7, s2  }
0x1e: {  	s7 =	smul.u32 @!p0 $0xF7A, s2;
	p2 =	seq.s32 @!p0 s5, $0x0  }
0x1f: {  	s9 =	smul.u32 $0xF7A, s1;
	s8 =	simm.s32 @!p0 $0x1BF5;
	p2 =	por !p2, p0  }
0x20: {  	[sflag:s8] =	ssyncset.s32 @!p0 $0xFFFFF086;
	s6 =	sadd.s32 @!p0 s3, s7;
	s7 =	simm.s32 @!p0 $0x108  }
0x21: {  	s3 =	sadd.s32 s3, s9;
	s6 =	sadd.s32 @!p0 $0x88, s6;
	s7 =	simm.s32 @p2 $0x1082  }
0x22: {  	[simem:s7], [sflag:s8] =	dma.local @!p0 [hbm:s6], $0xF7A  }
0x23: {  	s9 =	sor.u32 $0xD0000000, s2;
	s6 =	simm.s32 $0x108;
	_ =	swait.ge @!p0 [sflag:s8], $0x0  }
0x24: {  	s3 =	sadd.s32 $0x88, s3;
	s6 =	simm.s32 @!p1 $0x1082;
	[sflag:s4] =	ssyncset.s32 $0xFFFFF086  }
0x25: {  	[simem:s6], [sflag:s4] =	dma.local [hbm:s3], $0xF7A  }
0x26: {  	[smem:$0x3F9D] =	sst s1;
	(tag) =	ssettag s2;
	_ =	strace s9  }
0x27: {  	s1 =	sld [smem:$0x3FAD]  }
0x28: {  	s2 =	sld [smem:$0x3FAE]  }
0x29: {  	s4 =	sld [smem:$0x3FB0]  }
0x2a: {  	p0 =	seq.s32 s5, $0x0;
	s5 =	sld [smem:$0x3FB1]  }
0x2b: {  	s6 =	sld [smem:$0x3FB2]  }
0x2c: {  	s7 =	sld [smem:$0x3FB3]  }
0x2d: {  	s3 =	simm.s32 $0x108;
	s8 =	sld [smem:$0x3FB4]  }
0x2e: {  	s3 =	simm.s32 @!p0 $0x1082;
	s9 =	sld [smem:$0x3FB5]  }
0x2f: {  	lr =	sadd.s32 s0, s3;
	s0 =	sld [smem:$0x3FAC]  }
0x30: {  	s3 =	sld [smem:$0x3FAF]  }
0x31: {  	[smem:$0x3FB8] =	sst s10  }
0x32: {  	s10 =	sld [smem:$0x3FB6];
	_ =	sdelay $0x3  }
0x33: {  	p0 =	seq.s32 s10, $0x1;
	s10 =	sld [smem:$0x3FB8];
	_ =	sdelay $0x3  }
0x34: {  	[smem:$0x3FB8] =	sst s10  }
0x35: {  	s10 =	sld [smem:$0x3FB7];
	_ =	sdelay $0x3  }
0x36: {  	p1 =	seq.s32 s10, $0x1;
	s10 =	sld [smem:$0x3FB8];
	_ =	sdelay $0x3  }
0x37: {  	[smem:$0x3FB8] =	sst s10  }
0x38: {  	s10 =	sld [smem:$0x3FB9]  }
0x39: {  	_ = 	snop;
	(pc) =	sbr.ind lr, $3  }
0x3a: {  	_ = 	snop  }
0x3b: {  	_ = 	snop  }
0x3c: {  	p2 =	seq.s32 s10, $0x1;
	s10 =	sld [smem:$0x3FB8]  }
0x3d: {  	_ =	shalt  }
0x3e: {  	_ =	shalt  }
0x3f: {  	_ =	shalt  }
0x40: {  	_ =	shalt  }
0x41: {  	_ =	shalt  }
0x42: {  	_ =	shalt  }
0x43: {  	_ =	shalt  }
0x44: {  	_ =	shalt  }
0x45: {  	_ =	shalt  }
0x46: {  	_ =	shalt  }
0x47: {  	_ =	shalt  }
0x48: {  	_ =	shalt  }
0x49: {  	_ =	shalt  }
0x4a: {  	_ =	shalt  }
0x4b: {  	_ =	shalt  }
0x4c: {  	_ =	shalt  }
0x4d: {  	_ =	shalt  }
0x4e: {  	_ =	shalt  }
0x4f: {  	_ =	shalt  }
0x50: {  	_ =	shalt  }
0x51: {  	_ =	shalt  }
0x52: {  	_ =	shalt  }
0x53: {  	_ =	shalt  }
0x54: {  	_ =	shalt  }
0x55: {  	_ =	shalt  }
0x56: {  	_ =	shalt  }
0x57: {  	_ =	shalt  }
0x58: {  	_ =	shalt  }
0x59: {  	_ =	shalt  }
0x5a: {  	_ =	shalt  }
0x5b: {  	_ =	shalt  }
0x5c: {  	_ =	shalt  }
0x5d: {  	_ =	shalt  }
0x5e: {  	_ =	shalt  }
0x5f: {  	_ =	shalt  }
0x60: {  	_ =	shalt  }
0x61: {  	_ =	shalt  }
0x62: {  	_ =	shalt  }
0x63: {  	_ =	shalt  }
0x64: {  	_ =	shalt  }
0x65: {  	_ =	shalt  }
0x66: {  	_ =	shalt  }
0x67: {  	_ =	shalt  }
0x68: {  	_ =	shalt  }
0x69: {  	_ =	shalt  }
0x6a: {  	_ =	shalt  }
0x6b: {  	_ =	shalt  }
0x6c: {  	_ =	shalt  }
0x6d: {  	_ =	shalt  }
0x6e: {  	_ =	shalt  }
0x6f: {  	_ =	shalt  }
0x70: {  	_ =	shalt  }
0x71: {  	_ =	shalt  }
0x72: {  	_ =	shalt  }
0x73: {  	_ =	shalt  }
0x74: {  	_ =	shalt  }
0x75: {  	_ =	shalt  }
0x76: {  	_ =	shalt  }
0x77: {  	_ =	shalt  }
0x78: {  	_ =	shalt  }
0x79: {  	_ =	shalt  }
0x7a: {  	_ =	shalt  }
0x7b: {  	_ =	shalt  }
0x7c: {  	_ =	shalt  }
0x7d: {  	_ =	shalt  }
0x7e: {  	_ =	shalt  }
0x7f: {  	_ =	shalt  }
0x80: {  	_ =	shalt  }
0x81: {  	_ =	shalt  }
0x82: {  	_ =	shalt  }
0x83: {  	_ =	shalt  }
0x84: {  	_ =	shalt  }
0x85: {  	_ =	shalt  }
0x86: {  	_ =	shalt  }
0x87: {  	_ =	shalt  }
.Lfunc_end0:
.L_simem_size_0:
called_computation_lowered:
.L_overlay_start_0:
0x88: {  	s2 =	sld [smem:$0x3FD9]  }
0x89: {  	s3 =	sld [smem:$0x3FFE];
	_ =	sdelay $0x1  }
0x8a: {  	s1 =	srdreg.scid  }
0x8b: {  	s0 =	sand.u32 $0x1, s1  }
0x8c: {  	s18 =	sshll.u32 s0, $0xA;
	s2 =	sadd.s32 s3, s2  }
0x8d: {  	s2 =	sadd.s32 s2, s18  }
0x8e: {  	[smem:$0x3FC4] =	sst s2  }
0x8f: {  	_ = 	snop  }
0x90: {  	s2 =	sld [smem:$0x3FC8]  }
0x91: {  	s19 =	sld [smem:$0x3FD0];
	(tm) =	ssettm $0x1  }
0x92: {  	s4 =	sld [smem:$0x3FFB];
	_ =	sdelay $0x3  }
0x93: {  	_ =	strace s4  }
0x94: {  	s4 =	sld [smem:$0x3FFC];
	_ =	sdelay $0x3  }
0x95: {  	_ =	strace s4  }
0x96: {  	s4 =	sld [smem:$0x3FFD];
	_ =	sdelay $0x3  }
0x97: {  	_ =	strace s4  }
0x98: {  	_ =	strace $0x8FFFFFFF  }
0x99: {  	s20 =	sld [smem:$0x3FDB];
	_ =	sdelay $0x1  }
0x9a: {  	s5 =	simm.s32 $_scs_section_size  }
0x9b: {  	s6 =	simm.s32 $_size__tile_overlayer_lowered;
	s7 =	simm.s32 $_tile_overlayer_lowered  }
0x9c: {  	s23 =	simm.s32 $0x1BFF;
	s22 =	sshll.u32 s7, $0x1;
	s4 =	sadd.s32 s5, s20  }
0x9d: {  	s8 =	simm.s32 $0x0;
	s21 =	sshll.u32 s6, $0x1;
	s6 =	sadd.s32 s22, s4  }
0x9e: {  	[timem:s8], [sflag:s23] =	dma.local [hbm:s6], s21  }
0x9f: {  	_ =	swait.ge [sflag:s23], s21  }
0xa0: {  	s5 =	ssub.s32 $0x0, s21;
	[sflag:s23] =	ssyncset.done $0x0  }
0xa1: {  	[sflag:s23] =	ssyncadd.s32 s5;
	_ =	sdelay $0x1  }
0xa2: {  	s24 =	simm.s32 $0x1B8B  }
0xa3: {  	_ =	swait.ge [sflag:s24], $0x1  }
0xa4: {  	[sflag:s24] =	ssyncset.done $0x0  }
0xa5: {  	s25 =	simm.s32 $0x1B8E;
	[sflag:s24] =	ssyncadd.s32 $0xFFFFFFFF  }
0xa6: {  	s26 =	simm.s32 $execute0_lowered;
	[smem:$0x3FD2] =	sst s25  }
0xa7: {  	s5 =	sshll.u32 s26, $0x1;
	_ =	strace $0x80000046;
	[dreg:$0x1] =	wrdreg $0xFFFFFFFF  }
0xa8: {  	s28 =	simm.s32 $_size_execute0_lowered;
	s4 =	sadd.s32 s4, s5;
	[dreg:$0x0] =	wrdreg $0x0  }
0xa9: {  	s5 =	sshll.u32 s28, $0x1;
	[dreg:$0x2] =	wrdreg s4  }
0xaa: {  	[dreg:$0x3] =	wrdreg s5  }
0xab: {  	[dreg:$0x4] =	wrdreg $0xC0  }
0xac: {  	_ =	task [dreg:s8], $0x5FFFF  }
0xad: {  	[dreg:$0x1] =	wrdreg $0xFFFFFFFF  }
0xae: {  	[dreg:$0x0] =	wrdreg $0x60  }
0xaf: {  	[dreg:$0x2] =	wrdreg s2  }
0xb0: {  	[dreg:$0x3] =	wrdreg s19  }
0xb1: {  	[dreg:$0x4] =	wrdreg $0x77800  }
0xb2: {  	[dreg:$0x5] =	wrdreg $0x9  }
0xb3: {  	_ =	task.clear_ibuf [dreg:s8], $0x6FFFF;
	_ =	strace $0x90000046  }
0xb4: {  	s29 =	simm.s32 $0x9;
	_ =	strace $0x80000048  }
0xb5: {  	_ =	swait.ge [sflag:s29], $0x1  }
0xb6: {  	[sflag:s29] =	ssyncadd.s32 $0xFFFFFFFF  }
0xb7: {  	_ =	strace $0x90000048  }
0xb8: {  	_ =	sfence  }
0xb9: {  	s30 =	sld [smem:$0x0];
	_ =	sdelay $0x2  }
0xba: {  	s31 =	sshll.u32 s1, $0xD;
	s1 =	sshrl.u32 s1, $0x2  }
0xbb: {  	s3 =	sand.u32 $0x4000, s31;
	s1 =	sadd.s32 s1, s30  }
0xbc: {  	s0 =	sor.u32 s3, s0;
	s1 =	sshll.u32 s1, $0x11  }
0xbd: {  	s0 =	sor.u32 s1, s0  }
0xbe: {  	s0 =	sadd.s32 $0x8F2B, s0  }
0xbf: {  	[sflag:s0] =	ssyncadd.remote.s32 $0x1  }
0xc0: {  	_ =	sfence.sel $0xFFFF  }
0xc1: {  	[dreg:$0x0] =	wrdreg $0xFFFFFFFF;
	(pc) =	sbr.abs _section_cstart, $3  }
0xc2: {  	[dreg:$0x1] =	wrdreg $0xFFFFFFFF  }
0xc3: {  	_ =	task.clear_ibuf [dreg:s8], $0x2FFFF;
	_ =	strace $0x9FFFFFFF  }
0xc4: {  	(tm) =	ssettm $0x7FFFFFFF  }
0xc5: {  	_ =	shalt  }
tec
execute0_lowered:
.L_overlay_start_1:
0x0: {  	(tag) =	ssettag $0x1  }
0x1: {  	s3 =	rddreg [dreg:$0x0]  }
0x2: {  	s6 =	rddreg [dreg:$0x1]  }
0x3: {  	s1 =	rddreg [dreg:$0x2]  }
0x4: {  	s2 =	srdreg.scid;
	s0 =	rddreg [dreg:$0x3]  }
0x5: {  	s14 =	stileid.u32;
	s12 =	simm.s32 $0x4F00;
	s13 =	simm.s32 $0x1  }
0x6: {  	s4 =	sand.u32 $0x1, s2;
	s2 =	simm.s32 $0x0;
	s10 =	sshll.u32 s14, $0x5  }
0x7: {  	s11 =	smul.u32 $0xA00, s14;
	p1 =	sne.s32 s14, $0x0;
	s5 =	sshll.u32 s4, $0x4  }
0x8: {  	[smem:$0x7FF] =	sst s2;
	s28 =	ssub.s32 $0x2, s4;
	s29 =	sadd.s32 s10, s3  }
0x9: {  	s30 =	smul.u32 $0x500, s4;
	s10 =	simm.s32 $0x2;
	s8 =	sor.u32 s14, s5  }
0xa: {  	_ =	strace $0x80000047;
	s9 =	sshrl.u32 s28, $0x1;
	s4 =	sadd.s32 $0x13800, s29  }
0xb: {  	s31 =	sshrl.u32 s11, $0x2;
	s11 =	simm.s32 $0x80;
	s14 =	simm.s32 $0x0  }
0xc: {  	s7 =	smul.u32 $0x9C0, s8;
	s9 =	ssub.s32 s28, s9;
	s5 =	sadd.s32 s31, s1  }
0xd: {  	s6 =	sadd.s32 s6, s30;
	p0 =	sgt.u32 s8, $0x3;
	s8 =	simm.s32 $0x4F80  }
0xe: {  	v0 =	vimm.f32 $1.000000000e+00;
	v1 =	vimm.f32 $0.0e+00;
	s3 =	sadd.s32 s3, s7;
	s7 =	smax.u32 s9, $0x1;
	s9 =	simm.s32 $0x3  }
.LBB2_1:
0xf: {  	[tilespmem:s2], [sflag:$0x2] =	stream.linear.gather [hbm4b:s3+s2], $0x4E00, $0x38;
	[tilespmem:$0x7A00] =	vst v63  }
0x10: {  	s15 =	simm.s32 @!p0 $0x0;
	s16 =	simm.s32 @!p0 $0x4E00  }
0x11: {  	[tilespmem:s16], [sflag:$0x2] =	stream.linear.gather @!p0 [hbm4b:s4+s15], $0x100, $0x38;
	[tilespmem:$0x7A00] =	vst v63  }
0x12: {  	[tilespmem:$0x4F00] =	vst v0  }
0x13: {  	[tilespmem:$0x4F10] =	vst v0  }
0x14: {  	[tilespmem:$0x4F20] =	vst v0  }
0x15: {  	[tilespmem:$0x4F30] =	vst v0  }
0x16: {  	[tilespmem:$0x4F40] =	vst v0  }
0x17: {  	[tilespmem:$0x4F50] =	vst v0  }
0x18: {  	[tilespmem:$0x4F60] =	vst v0  }
0x19: {  	[tilespmem:$0x4F70] =	vst v0  }
0x1a: {  	[tilespmem:$0x4F80] =	vst v1  }
0x1b: {  	[tilespmem:$0x4F90] =	vst v1  }
0x1c: {  	[tilespmem:$0x4FA0] =	vst v1  }
0x1d: {  	[tilespmem:$0x4FB0] =	vst v1  }
0x1e: {  	[tilespmem:$0x4FC0] =	vst v1  }
0x1f: {  	[tilespmem:$0x4FD0] =	vst v1  }
0x20: {  	[tilespmem:$0x4FE0] =	vst v1  }
0x21: {  	[tilespmem:$0x4FF0] =	vst v1  }
0x22: {  	[tilespmem:$0x5000] =	vst v1  }
0x23: {  	[tilespmem:$0x5010] =	vst v1  }
0x24: {  	[tilespmem:$0x5020] =	vst v1  }
0x25: {  	[tilespmem:$0x5030] =	vst v1  }
0x26: {  	[tilespmem:$0x5040] =	vst v1  }
0x27: {  	[tilespmem:$0x5050] =	vst v1  }
0x28: {  	[tilespmem:$0x5060] =	vst v1  }
0x29: {  	[tilespmem:$0x5070] =	vst v1  }
0x2a: {  	[tilespmem:$0x5080] =	vst v1  }
0x2b: {  	[tilespmem:$0x5090] =	vst v1  }
0x2c: {  	[tilespmem:$0x50A0] =	vst v1  }
0x2d: {  	[tilespmem:$0x50B0] =	vst v1  }
0x2e: {  	[tilespmem:$0x50C0] =	vst v1  }
0x2f: {  	[tilespmem:$0x50D0] =	vst v1  }
0x30: {  	[tilespmem:$0x50E0] =	vst v1  }
0x31: {  	[tilespmem:$0x50F0] =	vst v1  }
0x32: {  	[tilespmem:$0x5100] =	vst v1  }
0x33: {  	[tilespmem:$0x5110] =	vst v1  }
0x34: {  	[tilespmem:$0x5120] =	vst v1  }
0x35: {  	[tilespmem:$0x5130] =	vst v1  }
0x36: {  	[tilespmem:$0x5140] =	vst v1  }
0x37: {  	[tilespmem:$0x5150] =	vst v1  }
0x38: {  	[tilespmem:$0x5160] =	vst v1  }
0x39: {  	[tilespmem:$0x5170] =	vst v1  }
0x3a: {  	[tilespmem:$0x5180] =	vst v1  }
0x3b: {  	[tilespmem:$0x5190] =	vst v1  }
0x3c: {  	[tilespmem:$0x51A0] =	vst v1  }
0x3d: {  	[tilespmem:$0x51B0] =	vst v1  }
0x3e: {  	[tilespmem:$0x51C0] =	vst v1  }
0x3f: {  	[tilespmem:$0x51D0] =	vst v1  }
0x40: {  	[tilespmem:$0x51E0] =	vst v1  }
0x41: {  	[tilespmem:$0x51F0] =	vst v1  }
0x42: {  	[spmem:s5] =	stream.linear.scatter [tilespmem:s8], [sflag:$0x3], $0x280, $0x38;
	[tilespmem:$0x7A00] =	vst v63  }
0x43: {  	_ =	swait.ge [sflag:s9], $0x280  }
0x44: {  	[sflag:s9] =	ssyncset.done $0x0  }
0x45: {  	[sflag:s9] =	ssyncadd.s32 $0xFFFFFD80  }
0x46: {  	_ =	swait.ge [sflag:s10], $0x4E00  }
0x47: {  	[sflag:s10] =	ssyncset.done $0x0  }
0x48: {  	s15 =	simm.s32 @!p0 $0x2;
	[sflag:s10] =	ssyncadd.s32 $0xFFFFB200  }
0x49: {  	_ =	swait.ge @!p0 [sflag:s15], $0x100  }
0x4a: {  	[sflag:s15] =	ssyncset.done @!p0 $0x0  }
0x4b: {  	[sflag:s15] =	ssyncadd.s32 @!p0 $0xFFFFFF00  }
0x4c: {  	s16 =	simm.s32 $0x0;
	s15 =	simm.s32 $0x400;
	[bflag:$0x0] =	sbarrier.arrive $0xFFFF  }
.LBB2_2:
0x4d: {  	[spmem:s1] =	stream.indirect.scatter.add.f32 [tilespmem:s12], [sflag:$0x1], $0x1, s16, s11, $0xb8;
	[tilespmem:$0x7A00] =	vst v63  }
0x4e: {  	s16 =	smov.u32 s15;
	p2 =	sne.s32 s15, $0x13400  }
.Ltmp0:
0x4f: {  	s15 =	sadd.s32 $0x400, s15;
	(pc) =	sbr.rel @p2 .LBB2_2-.Ltmp0, $2  }
0x50: {  	_ =	sdelay $0x2  }
0x51: {  	s16 =	sshra.s32 s16, $0x2  }
0x52: {  	[spmem:s1] =	stream.indirect.scatter.add.f32 [tilespmem:s12], [sflag:$0x1], $0x1, s16, s11, $0xb8;
	[tilespmem:$0x7A00] =	vst v63  }
0x53: {  	s15 =	simm.s32 @!p0 $0x80;
	s16 =	simm.s32 @!p0 $0x4E00;
	s17 =	simm.s32 @!p0 $0x4F00  }
0x54: {  	[spmem:s1] =	stream.indirect.scatter.add.f32 @!p0 [tilespmem:s17], [sflag:$0x1], $0x1, s16, s15, $0xb8;
	[tilespmem:$0x7A00] =	vst v63  }
0x55: {  	_ =	swait.ge [sflag:s13], $0x80  }
0x56: {  	s15 =	simm.s32 $0x4D;
	[sflag:s13] =	ssyncset.done $0x0  }
.LBB2_4:
0x57: {  	p2 =	sne.s32 s15, $0x1;
	s15 =	sadd.s32 $0xFFFFFFFF, s15;
	[sflag:s13] =	ssyncadd.s32 $0xFFFFFF80  }
.Ltmp1:
0x58: {  	(pc) =	sbr.rel @p2 .LBB2_4-.Ltmp1, $3  }
0x59: {  	_ =	sdelay $0x1  }
0x5a: {  	_ =	swait.ge [sflag:s13], $0x80  }
0x5b: {  	[sflag:s13] =	ssyncset.done $0x0  }
0x5c: {  	[sflag:s13] =	ssyncadd.s32 $0xFFFFFF80;
	s15 =	simm.s32 @!p0 $0x1  }
0x5d: {  	_ =	swait.ge @!p0 [sflag:s15], $0x80  }
0x5e: {  	[sflag:s15] =	ssyncset.done @!p0 $0x0  }
0x5f: {  	[sflag:s15] =	ssyncadd.s32 @!p0 $0xFFFFFF80  }
0x60: {  	s16 =	simm.s32 @!p1 $0x3;
	s15 =	simm.s32 @!p1 $0x4F80;
	[bflag:$0x0] =	sbarrier.arrive $0xFFFF  }
0x61: {  	[tilespmem:s15], [sflag:$0x3] =	stream.linear.gather @!p1 [spmem:s1], $0x2800, $0x38;
	[tilespmem:$0x7A00] =	vst v63  }
0x62: {  	s14 =	sadd.s32 $0x1, s14;
	_ =	swait.ge @!p1 [sflag:s16], $0x2800  }
0x63: {  	p2 =	sne.s32 s14, s7;
	[sflag:s16] =	ssyncset.done @!p1 $0x0  }
.Ltmp2:
0x64: {  	s17 =	simm.s32 @!p1 $0x0;
	[sflag:s16] =	ssyncadd.s32 @!p1 $0xFFFFD800;
	(pc) =	sbr.rel @p2 .LBB2_1-.Ltmp2, $4  }
0x65: {  	[hbm4b:s6+s17] =	stream.linear.scatter @!p1 [tilespmem:s15], [sflag:$0x3], $0x2800, $0x38;
	[tilespmem:$0x7A00] =	vst v63  }
0x66: {  	_ =	swait.ge @!p1 [sflag:s16], $0x2800  }
0x67: {  	[sflag:s16] =	ssyncset.done @!p1 $0x0  }
0x68: {  	[sflag:s16] =	ssyncadd.s32 @!p1 $0xFFFFD800  }
0x69: {  	_ =	sfence.sel $0x180000  }
0x6a: {  	[bflag:$0x0] =	sbarrier.arrive $0xFFFF  }
0x6b: {  	_ =	strace $0x90000047  }
0x6c: {  	s0 =	sadd.s32 @!p1 $0x100000, s0;
	[bflag:$0x2] =	sbarrier.arrive $0xFFFF  }
0x6d: {  	[sflag:s0] =	ssyncadd.tile.s32 @!p1 $0x1;
	_ =	shalt  }
.Lfunc_end2:
_tile_overlayer_lowered:
.L_overlay_start_2:
0x6e: {  	(tag) =	ssettag $0x2  }
0x6f: {  	s0 =	rddreg [dreg:$0x0];
	s2 =	stileid.u32  }
0x70: {  	s1 =	rddreg [dreg:$0x1];
	p0 =	sne.s32 s2, $0x0  }
0x71: {  	s3 =	rddreg [dreg:$0x2];
	[bflag:$0x3] =	sbarrier.arrive $0xFFFF;
	s2 =	simm.s32 @!p0 $0x1C03  }
0x72: {  	[timem:s3], [sflag:s2] =	dma.local @!p0 [hbm:s0], s1  }
0x73: {  	s0 =	simm.s32 @!p0 $0x3  }
0x74: {  	_ =	swait.ge @!p0 [sflag:s0], s1  }
0x75: {  	s1 =	ssub.s32 @!p0 $0x0, s1;
	[sflag:s0] =	ssyncset.done @!p0 $0x0  }
0x76: {  	[sflag:s0] =	ssyncadd.s32 @!p0 s1  }
0x77: {  	[bflag:$0x3] =	sbarrier.arrive $0xFFFF  }
0x78: {  	_ =	shalt  }

</sc_bundles>
